<compile_context>
chip_gen: v7x
topology: tpu7x:2x2x1
jax: 0.10.2.dev20260603
libtpu: 0.0.44.dev20260713+nightly
codegen_flags: <defaults>
</compile_context>

<pallas_src>
import functools

import jax
import jax.numpy as jnp
from jax import lax
from jax.experimental import pallas as pl
from jax.experimental.pallas import tpu as pltpu
from jax.experimental.pallas import tpu_sc as plsc

N_NODES = 10000
N_EDGES = 320000
D_NODE = 142
D_EDGE = 5
D_HID = 128
LANES = 16

NC = 2
NS = 16
NW = NC * NS
E_PER_W = N_EDGES // NW
CHUNK = 80
N_CHUNKS = E_PER_W // CHUNK
N_UNITS = N_NODES // CHUNK
UNITS_PER_TILE = -(-N_UNITS // NS)


def _node_mm_body(r_ref, a_ref, c_ref, d_ref,
                  we0, we1, we2, we3,
                  wn0, wn1, wn2, wn3, bn_ref,
                  h_ref, xn_ref):
    r = r_ref[...]
    a = a_ref[...]
    c = c_ref[...]
    d = d_ref[...]
    dot = functools.partial(jnp.dot, preferred_element_type=jnp.float32)
    h_ref[...] = (dot(r, we0[...]) + dot(a, we1[...])
                  + dot(c, we2[...]) + dot(d, we3[...]))
    xn_ref[...] = (dot(r, wn0[...]) + dot(a, wn1[...])
                   + dot(c, wn2[...]) + dot(d, wn3[...]) + bn_ref[...])


def _node_matmuls(r, a, c, d, wes, wns, b_node):
    return pl.pallas_call(
        _node_mm_body,
        out_shape=(
            jax.ShapeDtypeStruct((N_NODES, D_HID), jnp.float32),
            jax.ShapeDtypeStruct((N_NODES, D_HID), jnp.float32),
        ),
    )(r, a, c, d, *wes, *wns, b_node)


_G_BLK = 8000


def _edge_bias_body(bond_ref, web_ref, be_ref, g_ref):
    g_ref[...] = (jnp.dot(bond_ref[...], web_ref[...],
                          preferred_element_type=jnp.float32) + be_ref[...])


def _edge_bias(bond, W_eb, b_edge):
    grid = (N_EDGES // _G_BLK,)
    return pl.pallas_call(
        _edge_bias_body,
        grid=grid,
        in_specs=[
            pl.BlockSpec((_G_BLK, D_EDGE), lambda i: (i, 0)),
            pl.BlockSpec((D_EDGE, D_HID), lambda i: (0, 0)),
            pl.BlockSpec((1, D_HID), lambda i: (0, 0)),
        ],
        out_specs=pl.BlockSpec((_G_BLK, D_HID), lambda i: (i, 0)),
        out_shape=jax.ShapeDtypeStruct((N_EDGES, D_HID), jnp.float32),
    )(bond, W_eb, b_edge)


_sc_mesh = plsc.VectorSubcoreMesh(core_axis_name="c", subcore_axis_name="s")


@functools.partial(
    pl.kernel,
    mesh=_sc_mesh,
    out_type=jax.ShapeDtypeStruct((NC, N_NODES, D_HID), jnp.float32),
    scratch_types=[
        pltpu.VMEM((CHUNK,), jnp.int32),
        pltpu.VMEM((CHUNK,), jnp.int32),
        pltpu.VMEM((CHUNK, D_HID), jnp.float32),
        pltpu.VMEM((CHUNK, D_HID), jnp.float32),
        pltpu.VMEM_SHARED((N_NODES, D_HID), jnp.float32),
        pltpu.SemaphoreType.DMA,
    ],
)
def _sc_edge_kernel(h_hbm, g_hbm, src_hbm, dst_hbm, out_hbm,
                    src_v, dst_v, rows_v, g_v, agg_sh, sem):
    c = lax.axis_index("c")
    s = lax.axis_index("s")
    wid = s * NC + c

    zero = jnp.zeros((LANES,), jnp.float32)

    def zrow(r, carry):
        for k in range(D_HID // LANES):
            rows_v[r, pl.ds(k * LANES, LANES)] = zero
        return carry

    lax.fori_loop(0, CHUNK, zrow, 0)
    for t in range(UNITS_PER_TILE):
        u = s * UNITS_PER_TILE + t

        @pl.when(u < N_UNITS)
        def _():
            pltpu.sync_copy(rows_v, agg_sh.at[pl.ds(u * CHUNK, CHUNK)])

    plsc.subcore_barrier()

    def chunk_body(ci, carry):
        base = wid * E_PER_W + ci * CHUNK
        pltpu.sync_copy(src_hbm.at[wid, ci], src_v)
        pltpu.sync_copy(dst_hbm.at[wid, ci], dst_v)
        pltpu.sync_copy(g_hbm.at[pl.ds(base, CHUNK)], g_v)
        pltpu.async_copy(h_hbm.at[src_v], rows_v, sem).wait()

        def row_body(r, inner):
            for k in range(D_HID // LANES):
                sl = pl.ds(k * LANES, LANES)
                rows_v[r, sl] = jnp.maximum(rows_v[r, sl] + g_v[r, sl], 0.0)
            return inner

        lax.fori_loop(0, CHUNK, row_body, 0)
        pltpu.sync_copy(rows_v, agg_sh.at[dst_v], add=True)
        return carry

    lax.fori_loop(0, N_CHUNKS, chunk_body, 0)
    plsc.subcore_barrier()

    for t in range(UNITS_PER_TILE):
        u = s * UNITS_PER_TILE + t

        @pl.when(u < N_UNITS)
        def _():
            pltpu.sync_copy(agg_sh.at[pl.ds(u * CHUNK, CHUNK)], rows_v)
            pltpu.sync_copy(rows_v, out_hbm.at[c, pl.ds(u * CHUNK, CHUNK)])


def _head_body(xn_ref, agg_ref, wout_ref, bout_ref, out_ref):
    emb = jnp.maximum(xn_ref[...] + agg_ref[0] + agg_ref[1], 0.0)
    logits = (jnp.dot(emb, wout_ref[...], preferred_element_type=jnp.float32)
              + bout_ref[...])
    out_ref[...] = jax.nn.sigmoid(logits)


def _head(xn, agg2, W_out, b_out):
    return pl.pallas_call(
        _head_body,
        out_shape=jax.ShapeDtypeStruct((N_NODES, 1), jnp.float32),
    )(xn, agg2, W_out, b_out)


def kernel(residue_name_one_hot, atom_type_one_hot, record_symbol_one_hot,
           rdkit_atom_feature_onehot, edge_index, bond_feature, batch, b_factor,
           W_edge, b_edge, W_node, b_node, W_out, b_out):
    del batch
    splits = (21, 38, 3, 80)
    offs = (0, 21, 59, 62)
    wes = tuple(lax.slice_in_dim(W_edge, o, o + sz, axis=0)
                for o, sz in zip(offs, splits))
    wns = tuple(lax.slice_in_dim(W_node, o, o + sz, axis=0)
                for o, sz in zip(offs, splits))
    W_eb = lax.slice_in_dim(W_edge, D_NODE, D_NODE + D_EDGE, axis=0)

    h, xn = _node_matmuls(residue_name_one_hot, atom_type_one_hot,
                          record_symbol_one_hot, rdkit_atom_feature_onehot,
                          wes, wns, b_node.reshape(1, D_HID))
    g = _edge_bias(bond_feature, W_eb, b_edge.reshape(1, D_HID))

    src2 = edge_index[0].reshape(NW, N_CHUNKS, CHUNK)
    dst2 = edge_index[1].reshape(NW, N_CHUNKS, CHUNK)
    agg2 = _sc_edge_kernel(h, g, src2, dst2)

    out = _head(xn, agg2, W_out, b_out.reshape(1, 1))
    return out.reshape(N_NODES), b_factor

# --- scband reference (transcript-rebuilt; emitter-appended) ---
"""Pipeline reference for scband-scoring-model-33663953666626 (READ-ONLY COPY).

The authoritative reference and input builder live on the scoring server;
editing this copy changes nothing except your own understanding.
"""

import jax, jax.numpy as jnp
import numpy as np

N_NODES = 10000
N_EDGES = 320000
D_NODE = 142
D_EDGE = 5
D_HIDDEN = 128


def setup_inputs(seed: int = 0) -> dict:
    key = jax.random.key(seed)
    ks = jax.random.split(key, 16)
    residue_name_one_hot = jax.random.uniform(ks[0], (N_NODES, 21), dtype=jnp.float32)
    atom_type_one_hot = jax.random.uniform(ks[1], (N_NODES, 38), dtype=jnp.float32)
    record_symbol_one_hot = jax.random.uniform(ks[2], (N_NODES, 3), dtype=jnp.float32)
    rdkit_atom_feature_onehot = jax.random.uniform(ks[3], (N_NODES, 80), dtype=jnp.float32)
    edge_index = jax.random.randint(ks[4], (2, N_EDGES), 0, N_NODES, dtype=jnp.int32)
    bond_feature = jax.random.normal(ks[5], (N_EDGES, D_EDGE), dtype=jnp.float32)
    batch = jnp.zeros((N_NODES,), dtype=jnp.int32)
    b_factor = jax.random.uniform(ks[6], (N_NODES,), dtype=jnp.float32)
    # Learned parameters (GraphEmbeddingModel(142, 5, 0, 128, 0) approximated as one
    # message-passing layer with edge features + node update, hidden dim 128)
    W_edge = jax.random.normal(ks[7], (D_NODE + D_EDGE, D_HIDDEN), dtype=jnp.float32) * 0.05
    b_edge = jnp.zeros((D_HIDDEN,), dtype=jnp.float32)
    W_node = jax.random.normal(ks[8], (D_NODE, D_HIDDEN), dtype=jnp.float32) * 0.05
    b_node = jnp.zeros((D_HIDDEN,), dtype=jnp.float32)
    W_out = jax.random.normal(ks[9], (D_HIDDEN, 1), dtype=jnp.float32) * 0.05
    b_out = jnp.zeros((1,), dtype=jnp.float32)
    return {
        "residue_name_one_hot": residue_name_one_hot,
        "atom_type_one_hot": atom_type_one_hot,
        "record_symbol_one_hot": record_symbol_one_hot,
        "rdkit_atom_feature_onehot": rdkit_atom_feature_onehot,
        "edge_index": edge_index,
        "bond_feature": bond_feature,
        "batch": batch,
        "b_factor": b_factor,
        "W_edge": W_edge, "b_edge": b_edge,
        "W_node": W_node, "b_node": b_node,
        "W_out": W_out, "b_out": b_out,
    }


def reference(residue_name_one_hot, atom_type_one_hot, record_symbol_one_hot,
              rdkit_atom_feature_onehot, edge_index, bond_feature, batch, b_factor,
              W_edge, b_edge, W_node, b_node, W_out, b_out):
    # atom_feature = concat of the four one-hot blocks -> [N, 142]
    x = jnp.concatenate([residue_name_one_hot, atom_type_one_hot,
                         record_symbol_one_hot, rdkit_atom_feature_onehot], axis=-1)
    src = edge_index[0]
    dst = edge_index[1]
    # Message passing: gather source node features, combine with bond features
    msg_in = jnp.concatenate([jnp.take(x, src, axis=0), bond_feature], axis=-1)  # [E, 147]
    m = jax.nn.relu(msg_in @ W_edge + b_edge)  # [E, 128]
    # Scatter-add aggregation to destination nodes
    agg = jax.ops.segment_sum(m, dst, num_segments=x.shape[0])  # [N, 128]
    # Node update -> per-node embedding [N, 128]
    embedding = jax.nn.relu(x @ W_node + b_node + agg)
    # output_layer + sigmoid, squeeze last dim
    logits = embedding @ W_out + b_out  # [N, 1]
    output = jax.nn.sigmoid(jnp.squeeze(logits, axis=-1))  # [N]
    labels = b_factor
    return (output, labels)

if __name__ == "__main__":
    import jax
    _d = setup_inputs()
    print(jax.jit(kernel)(*tuple(_d.values())))

</pallas_src>

<mosaic_0001>
#map = affine_map<(d0, d1) -> (0, 0)>
#map1 = affine_map<(d0, d1) -> (0, 0, 0)>
module attributes {stable_mosaic.version = 14 : i64} {
  func.func @_sc_edge_kernel(%arg0: i32, %arg1: i32, %arg2: memref<10000x128xf32, #tpu.memory_space<hbm>>, %arg3: memref<320000x128xf32, #tpu.memory_space<hbm>>, %arg4: memref<32x125x80xi32, #tpu.memory_space<hbm>>, %arg5: memref<32x125x80xi32, #tpu.memory_space<hbm>>, %arg6: memref<2x10000x128xf32, #tpu.memory_space<hbm>>, %arg7: memref<80xi32, #tpu.memory_space<vmem>>, %arg8: memref<80xi32, #tpu.memory_space<vmem>>, %arg9: memref<80x128xf32, #tpu.memory_space<vmem>>, %arg10: memref<80x128xf32, #tpu.memory_space<vmem>>, %arg11: memref<10000x128xf32, #tpu.memory_space<vmem_shared>>, %arg12: memref<!tpu.dma_semaphore, #tpu.memory_space<semaphore_mem>>) attributes {dimension_semantics = [#tpu.dimension_semantics<core_parallel>, #tpu.dimension_semantics<subcore_parallel>], iteration_bounds = array<i64: 2, 16>, scalar_prefetch = 0 : i64, scratch_operands = 6 : i64, tpu.core_type = #tpu.core_type<sc_vector_subcore>, window_params = [{transform_indices = #map}, {transform_indices = #map}, {transform_indices = #map1}, {transform_indices = #map1}, {transform_indices = #map1}]} {
    %mul3A = arith.constant 2 : i32
    %mul3A_0 = arith.muli %arg1, %mul3A : i32
    %add3A = arith.addi %mul3A_0, %arg0 : i32
    %broadcast_in_dim3A = arith.constant 0.000000e+00 : f32
    %broadcast_in_dim3A_1 = vector.broadcast %broadcast_in_dim3A : f32 to vector<16xf32>
    %scan3A = arith.constant 0 : i32
    %scan3A_2 = arith.constant 0 : i32
    %scan3A_3 = arith.constant 80 : i32
    %scan3A_4 = arith.addi %scan3A_2, %scan3A_3 : i32
    %scan3A_5 = arith.constant 1 : i32
    scf.for %scan3A_155 = %scan3A_2 to %scan3A_4 step %scan3A_5  : i32 {
      %swap3A = arith.index_cast %scan3A_155 : i32 to index
      %swap3A_156 = arith.constant 0 : index
      %swap3A_157 = tpu.vector_load %arg9[%swap3A, %swap3A_156] {strides = array<i32>} : memref<80x128xf32, #tpu.memory_space<vmem>>, vector<1x16xf32>,
      %swap3A_158 = vector.shape_cast %swap3A_157 : vector<1x16xf32> to vector<16xf32>
      %swap3A_159 = vector.shape_cast %broadcast_in_dim3A_1 : vector<16xf32> to vector<1x16xf32>
      tpu.vector_store %arg9[%swap3A, %swap3A_156], %swap3A_159 {strides = array<i32>} : memref<80x128xf32, #tpu.memory_space<vmem>>, vector<1x16xf32>,
      %swap3A_160 = arith.index_cast %scan3A_155 : i32 to index
      %swap3A_161 = arith.constant 16 : index
      %swap3A_162 = tpu.vector_load %arg9[%swap3A_160, %swap3A_161] {strides = array<i32>} : memref<80x128xf32, #tpu.memory_space<vmem>>, vector<1x16xf32>,
      %swap3A_163 = vector.shape_cast %swap3A_162 : vector<1x16xf32> to vector<16xf32>
      %swap3A_164 = vector.shape_cast %broadcast_in_dim3A_1 : vector<16xf32> to vector<1x16xf32>
      tpu.vector_store %arg9[%swap3A_160, %swap3A_161], %swap3A_164 {strides = array<i32>} : memref<80x128xf32, #tpu.memory_space<vmem>>, vector<1x16xf32>,
      %swap3A_165 = arith.index_cast %scan3A_155 : i32 to index
      %swap3A_166 = arith.constant 32 : index
      %swap3A_167 = tpu.vector_load %arg9[%swap3A_165, %swap3A_166] {strides = array<i32>} : memref<80x128xf32, #tpu.memory_space<vmem>>, vector<1x16xf32>,
      %swap3A_168 = vector.shape_cast %swap3A_167 : vector<1x16xf32> to vector<16xf32>
      %swap3A_169 = vector.shape_cast %broadcast_in_dim3A_1 : vector<16xf32> to vector<1x16xf32>
      tpu.vector_store %arg9[%swap3A_165, %swap3A_166], %swap3A_169 {strides = array<i32>} : memref<80x128xf32, #tpu.memory_space<vmem>>, vector<1x16xf32>,
      %swap3A_170 = arith.index_cast %scan3A_155 : i32 to index
      %swap3A_171 = arith.constant 48 : index
      %swap3A_172 = tpu.vector_load %arg9[%swap3A_170, %swap3A_171] {strides = array<i32>} : memref<80x128xf32, #tpu.memory_space<vmem>>, vector<1x16xf32>,
      %swap3A_173 = vector.shape_cast %swap3A_172 : vector<1x16xf32> to vector<16xf32>
      %swap3A_174 = vector.shape_cast %broadcast_in_dim3A_1 : vector<16xf32> to vector<1x16xf32>
      tpu.vector_store %arg9[%swap3A_170, %swap3A_171], %swap3A_174 {strides = array<i32>} : memref<80x128xf32, #tpu.memory_space<vmem>>, vector<1x16xf32>,
      %swap3A_175 = arith.index_cast %scan3A_155 : i32 to index
      %swap3A_176 = arith.constant 64 : index
      %swap3A_177 = tpu.vector_load %arg9[%swap3A_175, %swap3A_176] {strides = array<i32>} : memref<80x128xf32, #tpu.memory_space<vmem>>, vector<1x16xf32>,
      %swap3A_178 = vector.shape_cast %swap3A_177 : vector<1x16xf32> to vector<16xf32>
      %swap3A_179 = vector.shape_cast %broadcast_in_dim3A_1 : vector<16xf32> to vector<1x16xf32>
      tpu.vector_store %arg9[%swap3A_175, %swap3A_176], %swap3A_179 {strides = array<i32>} : memref<80x128xf32, #tpu.memory_space<vmem>>, vector<1x16xf32>,
      %swap3A_180 = arith.index_cast %scan3A_155 : i32 to index
      %swap3A_181 = arith.constant 80 : index
      %swap3A_182 = tpu.vector_load %arg9[%swap3A_180, %swap3A_181] {strides = array<i32>} : memref<80x128xf32, #tpu.memory_space<vmem>>, vector<1x16xf32>,
      %swap3A_183 = vector.shape_cast %swap3A_182 : vector<1x16xf32> to vector<16xf32>
      %swap3A_184 = vector.shape_cast %broadcast_in_dim3A_1 : vector<16xf32> to vector<1x16xf32>
      tpu.vector_store %arg9[%swap3A_180, %swap3A_181], %swap3A_184 {strides = array<i32>} : memref<80x128xf32, #tpu.memory_space<vmem>>, vector<1x16xf32>,
      %swap3A_185 = arith.index_cast %scan3A_155 : i32 to index
      %swap3A_186 = arith.constant 96 : index
      %swap3A_187 = tpu.vector_load %arg9[%swap3A_185, %swap3A_186] {strides = array<i32>} : memref<80x128xf32, #tpu.memory_space<vmem>>, vector<1x16xf32>,
      %swap3A_188 = vector.shape_cast %swap3A_187 : vector<1x16xf32> to vector<16xf32>
      %swap3A_189 = vector.shape_cast %broadcast_in_dim3A_1 : vector<16xf32> to vector<1x16xf32>
      tpu.vector_store %arg9[%swap3A_185, %swap3A_186], %swap3A_189 {strides = array<i32>} : memref<80x128xf32, #tpu.memory_space<vmem>>, vector<1x16xf32>,
      %swap3A_190 = arith.index_cast %scan3A_155 : i32 to index
      %swap3A_191 = arith.constant 112 : index
      %swap3A_192 = tpu.vector_load %arg9[%swap3A_190, %swap3A_191] {strides = array<i32>} : memref<80x128xf32, #tpu.memory_space<vmem>>, vector<1x16xf32>,
      %swap3A_193 = vector.shape_cast %swap3A_192 : vector<1x16xf32> to vector<16xf32>
      %swap3A_194 = vector.shape_cast %broadcast_in_dim3A_1 : vector<16xf32> to vector<1x16xf32>
      tpu.vector_store %arg9[%swap3A_190, %swap3A_191], %swap3A_194 {strides = array<i32>} : memref<80x128xf32, #tpu.memory_space<vmem>>, vector<1x16xf32>,
    }
    %scan3A_6 = arith.constant 80 : i32
    %mul3A_7 = arith.constant 8 : i32
    %mul3A_8 = arith.muli %arg1, %mul3A_7 : i32
    %add3A_9 = arith.constant 0 : i32
    %add3A_10 = arith.addi %mul3A_8, %add3A_9 : i32
    %lt3A = arith.constant 125 : i32
    %lt3A_11 = arith.cmpi slt, %add3A_10, %lt3A : i32
    %convert_element_type3A = arith.extui %lt3A_11 : i1 to i32
    %cond3A = arith.constant 0 : i32
    %cond3A_12 = arith.cmpi ne, %convert_element_type3A, %cond3A : i32
    scf.if %cond3A_12 {
      %mul3A_155 = arith.constant 80 : i32
      %mul3A_156 = arith.muli %add3A_10, %mul3A_155 : i32
      "tpu.region"() ({
        %run_scoped3A = tpu.sem_alloc : memref<!tpu.dma_semaphore, #tpu.memory_space<semaphore_mem>>
        %dma_start3A = arith.constant 0 : i32
        %dma_start3A_157 = tpu.memref_slice %arg11[%mul3A_156, %dma_start3A] : memref<10000x128xf32, #tpu.memory_space<vmem_shared>> -> memref<80x128xf32, #tpu.memory_space<vmem_shared>>
        %dma_start3A_158 = arith.constant 0 : i32
        %dma_start3A_159 = tpu.memref_slice %arg11[%mul3A_156, %dma_start3A_158] : memref<10000x128xf32, #tpu.memory_space<vmem_shared>> -> memref<80x128xf32, #tpu.memory_space<vmem_shared>>
        tpu.enqueue_dma source(%arg9 : memref<80x128xf32, #tpu.memory_space<vmem>>) target(%dma_start3A_159 : memref<80x128xf32, #tpu.memory_space<vmem_shared>>) target_semaphore(%run_scoped3A : memref<!tpu.dma_semaphore, #tpu.memory_space<semaphore_mem>>)
        %dma_wait3A = arith.constant 0 : i32
        %dma_wait3A_160 = tpu.memref_slice %arg11[%mul3A_156, %dma_wait3A] : memref<10000x128xf32, #tpu.memory_space<vmem_shared>> -> memref<80x128xf32, #tpu.memory_space<vmem_shared>>
        %dma_wait3A_161 = arith.constant 0 : i32
        %dma_wait3A_162 = tpu.memref_slice %arg11[%mul3A_156, %dma_wait3A_161] : memref<10000x128xf32, #tpu.memory_space<vmem_shared>> -> memref<80x128xf32, #tpu.memory_space<vmem_shared>>
        tpu.wait_dma2 semaphore(%run_scoped3A : memref<!tpu.dma_semaphore, #tpu.memory_space<semaphore_mem>>) src(%arg9 : memref<80x128xf32, #tpu.memory_space<vmem>>) dst(%dma_wait3A_162 : memref<80x128xf32, #tpu.memory_space<vmem_shared>>)
        tpu.yield
      }) : () -> ()
    } else {
    }
    %mul3A_13 = arith.constant 8 : i32
    %mul3A_14 = arith.muli %arg1, %mul3A_13 : i32
    %add3A_15 = arith.constant 1 : i32
    %add3A_16 = arith.addi %mul3A_14, %add3A_15 : i32
    %lt3A_17 = arith.constant 125 : i32
    %lt3A_18 = arith.cmpi slt, %add3A_16, %lt3A_17 : i32
    %convert_element_type3A_19 = arith.extui %lt3A_18 : i1 to i32
    %cond3A_20 = arith.constant 0 : i32
    %cond3A_21 = arith.cmpi ne, %convert_element_type3A_19, %cond3A_20 : i32
    scf.if %cond3A_21 {
      %mul3A_155 = arith.constant 80 : i32
      %mul3A_156 = arith.muli %add3A_16, %mul3A_155 : i32
      "tpu.region"() ({
        %run_scoped3A = tpu.sem_alloc : memref<!tpu.dma_semaphore, #tpu.memory_space<semaphore_mem>>
        %dma_start3A = arith.constant 0 : i32
        %dma_start3A_157 = tpu.memref_slice %arg11[%mul3A_156, %dma_start3A] : memref<10000x128xf32, #tpu.memory_space<vmem_shared>> -> memref<80x128xf32, #tpu.memory_space<vmem_shared>>
        %dma_start3A_158 = arith.constant 0 : i32
        %dma_start3A_159 = tpu.memref_slice %arg11[%mul3A_156, %dma_start3A_158] : memref<10000x128xf32, #tpu.memory_space<vmem_shared>> -> memref<80x128xf32, #tpu.memory_space<vmem_shared>>
        tpu.enqueue_dma source(%arg9 : memref<80x128xf32, #tpu.memory_space<vmem>>) target(%dma_start3A_159 : memref<80x128xf32, #tpu.memory_space<vmem_shared>>) target_semaphore(%run_scoped3A : memref<!tpu.dma_semaphore, #tpu.memory_space<semaphore_mem>>)
        %dma_wait3A = arith.constant 0 : i32
        %dma_wait3A_160 = tpu.memref_slice %arg11[%mul3A_156, %dma_wait3A] : memref<10000x128xf32, #tpu.memory_space<vmem_shared>> -> memref<80x128xf32, #tpu.memory_space<vmem_shared>>
        %dma_wait3A_161 = arith.constant 0 : i32
        %dma_wait3A_162 = tpu.memref_slice %arg11[%mul3A_156, %dma_wait3A_161] : memref<10000x128xf32, #tpu.memory_space<vmem_shared>> -> memref<80x128xf32, #tpu.memory_space<vmem_shared>>
        tpu.wait_dma2 semaphore(%run_scoped3A : memref<!tpu.dma_semaphore, #tpu.memory_space<semaphore_mem>>) src(%arg9 : memref<80x128xf32, #tpu.memory_space<vmem>>) dst(%dma_wait3A_162 : memref<80x128xf32, #tpu.memory_space<vmem_shared>>)
        tpu.yield
      }) : () -> ()
    } else {
    }
    %mul3A_22 = arith.constant 8 : i32
    %mul3A_23 = arith.muli %arg1, %mul3A_22 : i32
    %add3A_24 = arith.constant 2 : i32
    %add3A_25 = arith.addi %mul3A_23, %add3A_24 : i32
    %lt3A_26 = arith.constant 125 : i32
    %lt3A_27 = arith.cmpi slt, %add3A_25, %lt3A_26 : i32
    %convert_element_type3A_28 = arith.extui %lt3A_27 : i1 to i32
    %cond3A_29 = arith.constant 0 : i32
    %cond3A_30 = arith.cmpi ne, %convert_element_type3A_28, %cond3A_29 : i32
    scf.if %cond3A_30 {
      %mul3A_155 = arith.constant 80 : i32
      %mul3A_156 = arith.muli %add3A_25, %mul3A_155 : i32
      "tpu.region"() ({
        %run_scoped3A = tpu.sem_alloc : memref<!tpu.dma_semaphore, #tpu.memory_space<semaphore_mem>>
        %dma_start3A = arith.constant 0 : i32
        %dma_start3A_157 = tpu.memref_slice %arg11[%mul3A_156, %dma_start3A] : memref<10000x128xf32, #tpu.memory_space<vmem_shared>> -> memref<80x128xf32, #tpu.memory_space<vmem_shared>>
        %dma_start3A_158 = arith.constant 0 : i32
        %dma_start3A_159 = tpu.memref_slice %arg11[%mul3A_156, %dma_start3A_158] : memref<10000x128xf32, #tpu.memory_space<vmem_shared>> -> memref<80x128xf32, #tpu.memory_space<vmem_shared>>
        tpu.enqueue_dma source(%arg9 : memref<80x128xf32, #tpu.memory_space<vmem>>) target(%dma_start3A_159 : memref<80x128xf32, #tpu.memory_space<vmem_shared>>) target_semaphore(%run_scoped3A : memref<!tpu.dma_semaphore, #tpu.memory_space<semaphore_mem>>)
        %dma_wait3A = arith.constant 0 : i32
        %dma_wait3A_160 = tpu.memref_slice %arg11[%mul3A_156, %dma_wait3A] : memref<10000x128xf32, #tpu.memory_space<vmem_shared>> -> memref<80x128xf32, #tpu.memory_space<vmem_shared>>
        %dma_wait3A_161 = arith.constant 0 : i32
        %dma_wait3A_162 = tpu.memref_slice %arg11[%mul3A_156, %dma_wait3A_161] : memref<10000x128xf32, #tpu.memory_space<vmem_shared>> -> memref<80x128xf32, #tpu.memory_space<vmem_shared>>
        tpu.wait_dma2 semaphore(%run_scoped3A : memref<!tpu.dma_semaphore, #tpu.memory_space<semaphore_mem>>) src(%arg9 : memref<80x128xf32, #tpu.memory_space<vmem>>) dst(%dma_wait3A_162 : memref<80x128xf32, #tpu.memory_space<vmem_shared>>)
        tpu.yield
      }) : () -> ()
    } else {
    }
    %mul3A_31 = arith.constant 8 : i32
    %mul3A_32 = arith.muli %arg1, %mul3A_31 : i32
    %add3A_33 = arith.constant 3 : i32
    %add3A_34 = arith.addi %mul3A_32, %add3A_33 : i32
    %lt3A_35 = arith.constant 125 : i32
    %lt3A_36 = arith.cmpi slt, %add3A_34, %lt3A_35 : i32
    %convert_element_type3A_37 = arith.extui %lt3A_36 : i1 to i32
    %cond3A_38 = arith.constant 0 : i32
    %cond3A_39 = arith.cmpi ne, %convert_element_type3A_37, %cond3A_38 : i32
    scf.if %cond3A_39 {
      %mul3A_155 = arith.constant 80 : i32
      %mul3A_156 = arith.muli %add3A_34, %mul3A_155 : i32
      "tpu.region"() ({
        %run_scoped3A = tpu.sem_alloc : memref<!tpu.dma_semaphore, #tpu.memory_space<semaphore_mem>>
        %dma_start3A = arith.constant 0 : i32
        %dma_start3A_157 = tpu.memref_slice %arg11[%mul3A_156, %dma_start3A] : memref<10000x128xf32, #tpu.memory_space<vmem_shared>> -> memref<80x128xf32, #tpu.memory_space<vmem_shared>>
        %dma_start3A_158 = arith.constant 0 : i32
        %dma_start3A_159 = tpu.memref_slice %arg11[%mul3A_156, %dma_start3A_158] : memref<10000x128xf32, #tpu.memory_space<vmem_shared>> -> memref<80x128xf32, #tpu.memory_space<vmem_shared>>
        tpu.enqueue_dma source(%arg9 : memref<80x128xf32, #tpu.memory_space<vmem>>) target(%dma_start3A_159 : memref<80x128xf32, #tpu.memory_space<vmem_shared>>) target_semaphore(%run_scoped3A : memref<!tpu.dma_semaphore, #tpu.memory_space<semaphore_mem>>)
        %dma_wait3A = arith.constant 0 : i32
        %dma_wait3A_160 = tpu.memref_slice %arg11[%mul3A_156, %dma_wait3A] : memref<10000x128xf32, #tpu.memory_space<vmem_shared>> -> memref<80x128xf32, #tpu.memory_space<vmem_shared>>
        %dma_wait3A_161 = arith.constant 0 : i32
        %dma_wait3A_162 = tpu.memref_slice %arg11[%mul3A_156, %dma_wait3A_161] : memref<10000x128xf32, #tpu.memory_space<vmem_shared>> -> memref<80x128xf32, #tpu.memory_space<vmem_shared>>
        tpu.wait_dma2 semaphore(%run_scoped3A : memref<!tpu.dma_semaphore, #tpu.memory_space<semaphore_mem>>) src(%arg9 : memref<80x128xf32, #tpu.memory_space<vmem>>) dst(%dma_wait3A_162 : memref<80x128xf32, #tpu.memory_space<vmem_shared>>)
        tpu.yield
      }) : () -> ()
    } else {
    }
    %mul3A_40 = arith.constant 8 : i32
    %mul3A_41 = arith.muli %arg1, %mul3A_40 : i32
    %add3A_42 = arith.constant 4 : i32
    %add3A_43 = arith.addi %mul3A_41, %add3A_42 : i32
    %lt3A_44 = arith.constant 125 : i32
    %lt3A_45 = arith.cmpi slt, %add3A_43, %lt3A_44 : i32
    %convert_element_type3A_46 = arith.extui %lt3A_45 : i1 to i32
    %cond3A_47 = arith.constant 0 : i32
    %cond3A_48 = arith.cmpi ne, %convert_element_type3A_46, %cond3A_47 : i32
    scf.if %cond3A_48 {
      %mul3A_155 = arith.constant 80 : i32
      %mul3A_156 = arith.muli %add3A_43, %mul3A_155 : i32
      "tpu.region"() ({
        %run_scoped3A = tpu.sem_alloc : memref<!tpu.dma_semaphore, #tpu.memory_space<semaphore_mem>>
        %dma_start3A = arith.constant 0 : i32
        %dma_start3A_157 = tpu.memref_slice %arg11[%mul3A_156, %dma_start3A] : memref<10000x128xf32, #tpu.memory_space<vmem_shared>> -> memref<80x128xf32, #tpu.memory_space<vmem_shared>>
        %dma_start3A_158 = arith.constant 0 : i32
        %dma_start3A_159 = tpu.memref_slice %arg11[%mul3A_156, %dma_start3A_158] : memref<10000x128xf32, #tpu.memory_space<vmem_shared>> -> memref<80x128xf32, #tpu.memory_space<vmem_shared>>
        tpu.enqueue_dma source(%arg9 : memref<80x128xf32, #tpu.memory_space<vmem>>) target(%dma_start3A_159 : memref<80x128xf32, #tpu.memory_space<vmem_shared>>) target_semaphore(%run_scoped3A : memref<!tpu.dma_semaphore, #tpu.memory_space<semaphore_mem>>)
        %dma_wait3A = arith.constant 0 : i32
        %dma_wait3A_160 = tpu.memref_slice %arg11[%mul3A_156, %dma_wait3A] : memref<10000x128xf32, #tpu.memory_space<vmem_shared>> -> memref<80x128xf32, #tpu.memory_space<vmem_shared>>
        %dma_wait3A_161 = arith.constant 0 : i32
        %dma_wait3A_162 = tpu.memref_slice %arg11[%mul3A_156, %dma_wait3A_161] : memref<10000x128xf32, #tpu.memory_space<vmem_shared>> -> memref<80x128xf32, #tpu.memory_space<vmem_shared>>
        tpu.wait_dma2 semaphore(%run_scoped3A : memref<!tpu.dma_semaphore, #tpu.memory_space<semaphore_mem>>) src(%arg9 : memref<80x128xf32, #tpu.memory_space<vmem>>) dst(%dma_wait3A_162 : memref<80x128xf32, #tpu.memory_space<vmem_shared>>)
        tpu.yield
      }) : () -> ()
    } else {
    }
    %mul3A_49 = arith.constant 8 : i32
    %mul3A_50 = arith.muli %arg1, %mul3A_49 : i32
    %add3A_51 = arith.constant 5 : i32
    %add3A_52 = arith.addi %mul3A_50, %add3A_51 : i32
    %lt3A_53 = arith.constant 125 : i32
    %lt3A_54 = arith.cmpi slt, %add3A_52, %lt3A_53 : i32
    %convert_element_type3A_55 = arith.extui %lt3A_54 : i1 to i32
    %cond3A_56 = arith.constant 0 : i32
    %cond3A_57 = arith.cmpi ne, %convert_element_type3A_55, %cond3A_56 : i32
    scf.if %cond3A_57 {
      %mul3A_155 = arith.constant 80 : i32
      %mul3A_156 = arith.muli %add3A_52, %mul3A_155 : i32
      "tpu.region"() ({
        %run_scoped3A = tpu.sem_alloc : memref<!tpu.dma_semaphore, #tpu.memory_space<semaphore_mem>>
        %dma_start3A = arith.constant 0 : i32
        %dma_start3A_157 = tpu.memref_slice %arg11[%mul3A_156, %dma_start3A] : memref<10000x128xf32, #tpu.memory_space<vmem_shared>> -> memref<80x128xf32, #tpu.memory_space<vmem_shared>>
        %dma_start3A_158 = arith.constant 0 : i32
        %dma_start3A_159 = tpu.memref_slice %arg11[%mul3A_156, %dma_start3A_158] : memref<10000x128xf32, #tpu.memory_space<vmem_shared>> -> memref<80x128xf32, #tpu.memory_space<vmem_shared>>
        tpu.enqueue_dma source(%arg9 : memref<80x128xf32, #tpu.memory_space<vmem>>) target(%dma_start3A_159 : memref<80x128xf32, #tpu.memory_space<vmem_shared>>) target_semaphore(%run_scoped3A : memref<!tpu.dma_semaphore, #tpu.memory_space<semaphore_mem>>)
        %dma_wait3A = arith.constant 0 : i32
        %dma_wait3A_160 = tpu.memref_slice %arg11[%mul3A_156, %dma_wait3A] : memref<10000x128xf32, #tpu.memory_space<vmem_shared>> -> memref<80x128xf32, #tpu.memory_space<vmem_shared>>
        %dma_wait3A_161 = arith.constant 0 : i32
        %dma_wait3A_162 = tpu.memref_slice %arg11[%mul3A_156, %dma_wait3A_161] : memref<10000x128xf32, #tpu.memory_space<vmem_shared>> -> memref<80x128xf32, #tpu.memory_space<vmem_shared>>
        tpu.wait_dma2 semaphore(%run_scoped3A : memref<!tpu.dma_semaphore, #tpu.memory_space<semaphore_mem>>) src(%arg9 : memref<80x128xf32, #tpu.memory_space<vmem>>) dst(%dma_wait3A_162 : memref<80x128xf32, #tpu.memory_space<vmem_shared>>)
        tpu.yield
      }) : () -> ()
    } else {
    }
    %mul3A_58 = arith.constant 8 : i32
    %mul3A_59 = arith.muli %arg1, %mul3A_58 : i32
    %add3A_60 = arith.constant 6 : i32
    %add3A_61 = arith.addi %mul3A_59, %add3A_60 : i32
    %lt3A_62 = arith.constant 125 : i32
    %lt3A_63 = arith.cmpi slt, %add3A_61, %lt3A_62 : i32
    %convert_element_type3A_64 = arith.extui %lt3A_63 : i1 to i32
    %cond3A_65 = arith.constant 0 : i32
    %cond3A_66 = arith.cmpi ne, %convert_element_type3A_64, %cond3A_65 : i32
    scf.if %cond3A_66 {
      %mul3A_155 = arith.constant 80 : i32
      %mul3A_156 = arith.muli %add3A_61, %mul3A_155 : i32
      "tpu.region"() ({
        %run_scoped3A = tpu.sem_alloc : memref<!tpu.dma_semaphore, #tpu.memory_space<semaphore_mem>>
        %dma_start3A = arith.constant 0 : i32
        %dma_start3A_157 = tpu.memref_slice %arg11[%mul3A_156, %dma_start3A] : memref<10000x128xf32, #tpu.memory_space<vmem_shared>> -> memref<80x128xf32, #tpu.memory_space<vmem_shared>>
        %dma_start3A_158 = arith.constant 0 : i32
        %dma_start3A_159 = tpu.memref_slice %arg11[%mul3A_156, %dma_start3A_158] : memref<10000x128xf32, #tpu.memory_space<vmem_shared>> -> memref<80x128xf32, #tpu.memory_space<vmem_shared>>
        tpu.enqueue_dma source(%arg9 : memref<80x128xf32, #tpu.memory_space<vmem>>) target(%dma_start3A_159 : memref<80x128xf32, #tpu.memory_space<vmem_shared>>) target_semaphore(%run_scoped3A : memref<!tpu.dma_semaphore, #tpu.memory_space<semaphore_mem>>)
        %dma_wait3A = arith.constant 0 : i32
        %dma_wait3A_160 = tpu.memref_slice %arg11[%mul3A_156, %dma_wait3A] : memref<10000x128xf32, #tpu.memory_space<vmem_shared>> -> memref<80x128xf32, #tpu.memory_space<vmem_shared>>
        %dma_wait3A_161 = arith.constant 0 : i32
        %dma_wait3A_162 = tpu.memref_slice %arg11[%mul3A_156, %dma_wait3A_161] : memref<10000x128xf32, #tpu.memory_space<vmem_shared>> -> memref<80x128xf32, #tpu.memory_space<vmem_shared>>
        tpu.wait_dma2 semaphore(%run_scoped3A : memref<!tpu.dma_semaphore, #tpu.memory_space<semaphore_mem>>) src(%arg9 : memref<80x128xf32, #tpu.memory_space<vmem>>) dst(%dma_wait3A_162 : memref<80x128xf32, #tpu.memory_space<vmem_shared>>)
        tpu.yield
      }) : () -> ()
    } else {
    }
    %mul3A_67 = arith.constant 8 : i32
    %mul3A_68 = arith.muli %arg1, %mul3A_67 : i32
    %add3A_69 = arith.constant 7 : i32
    %add3A_70 = arith.addi %mul3A_68, %add3A_69 : i32
    %lt3A_71 = arith.constant 125 : i32
    %lt3A_72 = arith.cmpi slt, %add3A_70, %lt3A_71 : i32
    %convert_element_type3A_73 = arith.extui %lt3A_72 : i1 to i32
    %cond3A_74 = arith.constant 0 : i32
    %cond3A_75 = arith.cmpi ne, %convert_element_type3A_73, %cond3A_74 : i32
    scf.if %cond3A_75 {
      %mul3A_155 = arith.constant 80 : i32
      %mul3A_156 = arith.muli %add3A_70, %mul3A_155 : i32
      "tpu.region"() ({
        %run_scoped3A = tpu.sem_alloc : memref<!tpu.dma_semaphore, #tpu.memory_space<semaphore_mem>>
        %dma_start3A = arith.constant 0 : i32
        %dma_start3A_157 = tpu.memref_slice %arg11[%mul3A_156, %dma_start3A] : memref<10000x128xf32, #tpu.memory_space<vmem_shared>> -> memref<80x128xf32, #tpu.memory_space<vmem_shared>>
        %dma_start3A_158 = arith.constant 0 : i32
        %dma_start3A_159 = tpu.memref_slice %arg11[%mul3A_156, %dma_start3A_158] : memref<10000x128xf32, #tpu.memory_space<vmem_shared>> -> memref<80x128xf32, #tpu.memory_space<vmem_shared>>
        tpu.enqueue_dma source(%arg9 : memref<80x128xf32, #tpu.memory_space<vmem>>) target(%dma_start3A_159 : memref<80x128xf32, #tpu.memory_space<vmem_shared>>) target_semaphore(%run_scoped3A : memref<!tpu.dma_semaphore, #tpu.memory_space<semaphore_mem>>)
        %dma_wait3A = arith.constant 0 : i32
        %dma_wait3A_160 = tpu.memref_slice %arg11[%mul3A_156, %dma_wait3A] : memref<10000x128xf32, #tpu.memory_space<vmem_shared>> -> memref<80x128xf32, #tpu.memory_space<vmem_shared>>
        %dma_wait3A_161 = arith.constant 0 : i32
        %dma_wait3A_162 = tpu.memref_slice %arg11[%mul3A_156, %dma_wait3A_161] : memref<10000x128xf32, #tpu.memory_space<vmem_shared>> -> memref<80x128xf32, #tpu.memory_space<vmem_shared>>
        tpu.wait_dma2 semaphore(%run_scoped3A : memref<!tpu.dma_semaphore, #tpu.memory_space<semaphore_mem>>) src(%arg9 : memref<80x128xf32, #tpu.memory_space<vmem>>) dst(%dma_wait3A_162 : memref<80x128xf32, #tpu.memory_space<vmem_shared>>)
        tpu.yield
      }) : () -> ()
    } else {
    }
    %barrier3A = arith.constant 0 : index
    tpu.barrier barrier_id(%barrier3A)
    %scan3A_76 = arith.constant 0 : i32
    %scan3A_77 = arith.constant 0 : i32
    %scan3A_78 = arith.constant 125 : i32
    %scan3A_79 = arith.addi %scan3A_77, %scan3A_78 : i32
    %scan3A_80 = arith.constant 1 : i32
    scf.for %scan3A_155 = %scan3A_77 to %scan3A_79 step %scan3A_80  : i32 {
      %mul3A_156 = arith.constant 10000 : i32
      %mul3A_157 = arith.muli %add3A, %mul3A_156 : i32
      %mul3A_158 = arith.constant 80 : i32
      %mul3A_159 = arith.muli %scan3A_155, %mul3A_158 : i32
      %add3A_160 = arith.addi %mul3A_157, %mul3A_159 : i32
      "tpu.region"() ({
        %run_scoped3A = tpu.sem_alloc : memref<!tpu.dma_semaphore, #tpu.memory_space<semaphore_mem>>
        %dma_start3A_171 = arith.constant 0 : i32
        %dma_start3A_172 = tpu.memref_slice %arg4[%add3A, %scan3A_155, %dma_start3A_171] : memref<32x125x80xi32, #tpu.memory_space<hbm>> -> memref<1x1x80xi32, #tpu.memory_space<hbm>>
        %dma_start3A_173 = tpu.memref_squeeze %dma_start3A_172 : memref<1x1x80xi32, #tpu.memory_space<hbm>> -> memref<80xi32, #tpu.memory_space<hbm>>
        %dma_start3A_174 = arith.constant 0 : i32
        %dma_start3A_175 = tpu.memref_slice %arg4[%add3A, %scan3A_155, %dma_start3A_174] : memref<32x125x80xi32, #tpu.memory_space<hbm>> -> memref<1x1x80xi32, #tpu.memory_space<hbm>>
        %dma_start3A_176 = tpu.memref_squeeze %dma_start3A_175 : memref<1x1x80xi32, #tpu.memory_space<hbm>> -> memref<80xi32, #tpu.memory_space<hbm>>
        tpu.enqueue_dma source(%dma_start3A_176 : memref<80xi32, #tpu.memory_space<hbm>>) target(%arg7 : memref<80xi32, #tpu.memory_space<vmem>>) target_semaphore(%run_scoped3A : memref<!tpu.dma_semaphore, #tpu.memory_space<semaphore_mem>>)
        %dma_wait3A_177 = arith.constant 0 : i32
        %dma_wait3A_178 = tpu.memref_slice %arg4[%add3A, %scan3A_155, %dma_wait3A_177] : memref<32x125x80xi32, #tpu.memory_space<hbm>> -> memref<1x1x80xi32, #tpu.memory_space<hbm>>
        %dma_wait3A_179 = tpu.memref_squeeze %dma_wait3A_178 : memref<1x1x80xi32, #tpu.memory_space<hbm>> -> memref<80xi32, #tpu.memory_space<hbm>>
        %dma_wait3A_180 = arith.constant 0 : i32
        %dma_wait3A_181 = tpu.memref_slice %arg4[%add3A, %scan3A_155, %dma_wait3A_180] : memref<32x125x80xi32, #tpu.memory_space<hbm>> -> memref<1x1x80xi32, #tpu.memory_space<hbm>>
        %dma_wait3A_182 = tpu.memref_squeeze %dma_wait3A_181 : memref<1x1x80xi32, #tpu.memory_space<hbm>> -> memref<80xi32, #tpu.memory_space<hbm>>
        tpu.wait_dma2 semaphore(%run_scoped3A : memref<!tpu.dma_semaphore, #tpu.memory_space<semaphore_mem>>) src(%dma_wait3A_182 : memref<80xi32, #tpu.memory_space<hbm>>) dst(%arg7 : memref<80xi32, #tpu.memory_space<vmem>>)
        tpu.yield
      }) : () -> ()
      "tpu.region"() ({
        %run_scoped3A = tpu.sem_alloc : memref<!tpu.dma_semaphore, #tpu.memory_space<semaphore_mem>>
        %dma_start3A_171 = arith.constant 0 : i32
        %dma_start3A_172 = tpu.memref_slice %arg5[%add3A, %scan3A_155, %dma_start3A_171] : memref<32x125x80xi32, #tpu.memory_space<hbm>> -> memref<1x1x80xi32, #tpu.memory_space<hbm>>
        %dma_start3A_173 = tpu.memref_squeeze %dma_start3A_172 : memref<1x1x80xi32, #tpu.memory_space<hbm>> -> memref<80xi32, #tpu.memory_space<hbm>>
        %dma_start3A_174 = arith.constant 0 : i32
        %dma_start3A_175 = tpu.memref_slice %arg5[%add3A, %scan3A_155, %dma_start3A_174] : memref<32x125x80xi32, #tpu.memory_space<hbm>> -> memref<1x1x80xi32, #tpu.memory_space<hbm>>
        %dma_start3A_176 = tpu.memref_squeeze %dma_start3A_175 : memref<1x1x80xi32, #tpu.memory_space<hbm>> -> memref<80xi32, #tpu.memory_space<hbm>>
        tpu.enqueue_dma source(%dma_start3A_176 : memref<80xi32, #tpu.memory_space<hbm>>) target(%arg8 : memref<80xi32, #tpu.memory_space<vmem>>) target_semaphore(%run_scoped3A : memref<!tpu.dma_semaphore, #tpu.memory_space<semaphore_mem>>)
        %dma_wait3A_177 = arith.constant 0 : i32
        %dma_wait3A_178 = tpu.memref_slice %arg5[%add3A, %scan3A_155, %dma_wait3A_177] : memref<32x125x80xi32, #tpu.memory_space<hbm>> -> memref<1x1x80xi32, #tpu.memory_space<hbm>>
        %dma_wait3A_179 = tpu.memref_squeeze %dma_wait3A_178 : memref<1x1x80xi32, #tpu.memory_space<hbm>> -> memref<80xi32, #tpu.memory_space<hbm>>
        %dma_wait3A_180 = arith.constant 0 : i32
        %dma_wait3A_181 = tpu.memref_slice %arg5[%add3A, %scan3A_155, %dma_wait3A_180] : memref<32x125x80xi32, #tpu.memory_space<hbm>> -> memref<1x1x80xi32, #tpu.memory_space<hbm>>
        %dma_wait3A_182 = tpu.memref_squeeze %dma_wait3A_181 : memref<1x1x80xi32, #tpu.memory_space<hbm>> -> memref<80xi32, #tpu.memory_space<hbm>>
        tpu.wait_dma2 semaphore(%run_scoped3A : memref<!tpu.dma_semaphore, #tpu.memory_space<semaphore_mem>>) src(%dma_wait3A_182 : memref<80xi32, #tpu.memory_space<hbm>>) dst(%arg8 : memref<80xi32, #tpu.memory_space<vmem>>)
        tpu.yield
      }) : () -> ()
      "tpu.region"() ({
        %run_scoped3A = tpu.sem_alloc : memref<!tpu.dma_semaphore, #tpu.memory_space<semaphore_mem>>
        %dma_start3A_171 = arith.constant 0 : i32
        %dma_start3A_172 = tpu.memref_slice %arg3[%add3A_160, %dma_start3A_171] : memref<320000x128xf32, #tpu.memory_space<hbm>> -> memref<80x128xf32, #tpu.memory_space<hbm>>
        %dma_start3A_173 = arith.constant 0 : i32
        %dma_start3A_174 = tpu.memref_slice %arg3[%add3A_160, %dma_start3A_173] : memref<320000x128xf32, #tpu.memory_space<hbm>> -> memref<80x128xf32, #tpu.memory_space<hbm>>
        tpu.enqueue_dma source(%dma_start3A_174 : memref<80x128xf32, #tpu.memory_space<hbm>>) target(%arg10 : memref<80x128xf32, #tpu.memory_space<vmem>>) target_semaphore(%run_scoped3A : memref<!tpu.dma_semaphore, #tpu.memory_space<semaphore_mem>>)
        %dma_wait3A_175 = arith.constant 0 : i32
        %dma_wait3A_176 = tpu.memref_slice %arg3[%add3A_160, %dma_wait3A_175] : memref<320000x128xf32, #tpu.memory_space<hbm>> -> memref<80x128xf32, #tpu.memory_space<hbm>>
        %dma_wait3A_177 = arith.constant 0 : i32
        %dma_wait3A_178 = tpu.memref_slice %arg3[%add3A_160, %dma_wait3A_177] : memref<320000x128xf32, #tpu.memory_space<hbm>> -> memref<80x128xf32, #tpu.memory_space<hbm>>
        tpu.wait_dma2 semaphore(%run_scoped3A : memref<!tpu.dma_semaphore, #tpu.memory_space<semaphore_mem>>) src(%dma_wait3A_178 : memref<80x128xf32, #tpu.memory_space<hbm>>) dst(%arg10 : memref<80x128xf32, #tpu.memory_space<vmem>>)
        tpu.yield
      }) : () -> ()
      %dma_start3A = arith.constant 0 : i32
      %dma_start3A_161 = arith.constant 0 : i32
      %dma_start3A_162 = tpu.memref_slice %arg2[%dma_start3A, %dma_start3A_161] : memref<10000x128xf32, #tpu.memory_space<hbm>> -> memref<10000x128xf32, #tpu.memory_space<hbm>>
      tpu.enqueue_indirect_dma source(%dma_start3A_162 : memref<10000x128xf32, #tpu.memory_space<hbm>>) target(%arg9 : memref<80x128xf32, #tpu.memory_space<vmem>>) offsets(%arg7 : memref<80xi32, #tpu.memory_space<vmem>>) semaphore(%arg12 : memref<!tpu.dma_semaphore, #tpu.memory_space<semaphore_mem>>)
      %dma_wait3A = arith.constant 0 : i32
      %dma_wait3A_163 = arith.constant 0 : i32
      %dma_wait3A_164 = tpu.memref_slice %arg2[%dma_wait3A, %dma_wait3A_163] : memref<10000x128xf32, #tpu.memory_space<hbm>> -> memref<10000x128xf32, #tpu.memory_space<hbm>>
      tpu.wait_indirect_dma semaphore(%arg12 : memref<!tpu.dma_semaphore, #tpu.memory_space<semaphore_mem>>) src(%dma_wait3A_164 : memref<10000x128xf32, #tpu.memory_space<hbm>>) dst(%arg9 : memref<80x128xf32, #tpu.memory_space<vmem>>)
      %scan3A_165 = arith.constant 0 : i32
      %scan3A_166 = arith.constant 0 : i32
      %scan3A_167 = arith.constant 80 : i32
      %scan3A_168 = arith.addi %scan3A_166, %scan3A_167 : i32
      %scan3A_169 = arith.constant 1 : i32
      scf.for %scan3A_171 = %scan3A_166 to %scan3A_168 step %scan3A_169  : i32 {
        %get3A = arith.index_cast %scan3A_171 : i32 to index
        %get3A_172 = arith.constant 0 : index
        %get3A_173 = tpu.vector_load %arg9[%get3A, %get3A_172] {strides = array<i32>} : memref<80x128xf32, #tpu.memory_space<vmem>>, vector<1x16xf32>,
        %get3A_174 = vector.shape_cast %get3A_173 : vector<1x16xf32> to vector<16xf32>
        %get3A_175 = arith.index_cast %scan3A_171 : i32 to index
        %get3A_176 = arith.constant 0 : index
        %get3A_177 = tpu.vector_load %arg10[%get3A_175, %get3A_176] {strides = array<i32>} : memref<80x128xf32, #tpu.memory_space<vmem>>, vector<1x16xf32>,
        %get3A_178 = vector.shape_cast %get3A_177 : vector<1x16xf32> to vector<16xf32>
        %add3A_179 = arith.addf %get3A_174, %get3A_178 : vector<16xf32>
        %max3A = arith.constant 0.000000e+00 : f32
        %max3A_180 = vector.broadcast %max3A : f32 to vector<16xf32>
        %max3A_181 = arith.maximumf %add3A_179, %max3A_180 : vector<16xf32>
        %swap3A = arith.index_cast %scan3A_171 : i32 to index
        %swap3A_182 = arith.constant 0 : index
        %swap3A_183 = tpu.vector_load %arg9[%swap3A, %swap3A_182] {strides = array<i32>} : memref<80x128xf32, #tpu.memory_space<vmem>>, vector<1x16xf32>,
        %swap3A_184 = vector.shape_cast %swap3A_183 : vector<1x16xf32> to vector<16xf32>
        %swap3A_185 = vector.shape_cast %max3A_181 : vector<16xf32> to vector<1x16xf32>
        tpu.vector_store %arg9[%swap3A, %swap3A_182], %swap3A_185 {strides = array<i32>} : memref<80x128xf32, #tpu.memory_space<vmem>>, vector<1x16xf32>,
        %get3A_186 = arith.index_cast %scan3A_171 : i32 to index
        %get3A_187 = arith.constant 16 : index
        %get3A_188 = tpu.vector_load %arg9[%get3A_186, %get3A_187] {strides = array<i32>} : memref<80x128xf32, #tpu.memory_space<vmem>>, vector<1x16xf32>,
        %get3A_189 = vector.shape_cast %get3A_188 : vector<1x16xf32> to vector<16xf32>
        %get3A_190 = arith.index_cast %scan3A_171 : i32 to index
        %get3A_191 = arith.constant 16 : index
        %get3A_192 = tpu.vector_load %arg10[%get3A_190, %get3A_191] {strides = array<i32>} : memref<80x128xf32, #tpu.memory_space<vmem>>, vector<1x16xf32>,
        %get3A_193 = vector.shape_cast %get3A_192 : vector<1x16xf32> to vector<16xf32>
        %add3A_194 = arith.addf %get3A_189, %get3A_193 : vector<16xf32>
        %max3A_195 = arith.constant 0.000000e+00 : f32
        %max3A_196 = vector.broadcast %max3A_195 : f32 to vector<16xf32>
        %max3A_197 = arith.maximumf %add3A_194, %max3A_196 : vector<16xf32>
        %swap3A_198 = arith.index_cast %scan3A_171 : i32 to index
        %swap3A_199 = arith.constant 16 : index
        %swap3A_200 = tpu.vector_load %arg9[%swap3A_198, %swap3A_199] {strides = array<i32>} : memref<80x128xf32, #tpu.memory_space<vmem>>, vector<1x16xf32>,
        %swap3A_201 = vector.shape_cast %swap3A_200 : vector<1x16xf32> to vector<16xf32>
        %swap3A_202 = vector.shape_cast %max3A_197 : vector<16xf32> to vector<1x16xf32>
        tpu.vector_store %arg9[%swap3A_198, %swap3A_199], %swap3A_202 {strides = array<i32>} : memref<80x128xf32, #tpu.memory_space<vmem>>, vector<1x16xf32>,
        %get3A_203 = arith.index_cast %scan3A_171 : i32 to index
        %get3A_204 = arith.constant 32 : index
        %get3A_205 = tpu.vector_load %arg9[%get3A_203, %get3A_204] {strides = array<i32>} : memref<80x128xf32, #tpu.memory_space<vmem>>, vector<1x16xf32>,
        %get3A_206 = vector.shape_cast %get3A_205 : vector<1x16xf32> to vector<16xf32>
        %get3A_207 = arith.index_cast %scan3A_171 : i32 to index
        %get3A_208 = arith.constant 32 : index
        %get3A_209 = tpu.vector_load %arg10[%get3A_207, %get3A_208] {strides = array<i32>} : memref<80x128xf32, #tpu.memory_space<vmem>>, vector<1x16xf32>,
        %get3A_210 = vector.shape_cast %get3A_209 : vector<1x16xf32> to vector<16xf32>
        %add3A_211 = arith.addf %get3A_206, %get3A_210 : vector<16xf32>
        %max3A_212 = arith.constant 0.000000e+00 : f32
        %max3A_213 = vector.broadcast %max3A_212 : f32 to vector<16xf32>
        %max3A_214 = arith.maximumf %add3A_211, %max3A_213 : vector<16xf32>
        %swap3A_215 = arith.index_cast %scan3A_171 : i32 to index
        %swap3A_216 = arith.constant 32 : index
        %swap3A_217 = tpu.vector_load %arg9[%swap3A_215, %swap3A_216] {strides = array<i32>} : memref<80x128xf32, #tpu.memory_space<vmem>>, vector<1x16xf32>,
        %swap3A_218 = vector.shape_cast %swap3A_217 : vector<1x16xf32> to vector<16xf32>
        %swap3A_219 = vector.shape_cast %max3A_214 : vector<16xf32> to vector<1x16xf32>
        tpu.vector_store %arg9[%swap3A_215, %swap3A_216], %swap3A_219 {strides = array<i32>} : memref<80x128xf32, #tpu.memory_space<vmem>>, vector<1x16xf32>,
        %get3A_220 = arith.index_cast %scan3A_171 : i32 to index
        %get3A_221 = arith.constant 48 : index
        %get3A_222 = tpu.vector_load %arg9[%get3A_220, %get3A_221] {strides = array<i32>} : memref<80x128xf32, #tpu.memory_space<vmem>>, vector<1x16xf32>,
        %get3A_223 = vector.shape_cast %get3A_222 : vector<1x16xf32> to vector<16xf32>
        %get3A_224 = arith.index_cast %scan3A_171 : i32 to index
        %get3A_225 = arith.constant 48 : index
        %get3A_226 = tpu.vector_load %arg10[%get3A_224, %get3A_225] {strides = array<i32>} : memref<80x128xf32, #tpu.memory_space<vmem>>, vector<1x16xf32>,
        %get3A_227 = vector.shape_cast %get3A_226 : vector<1x16xf32> to vector<16xf32>
        %add3A_228 = arith.addf %get3A_223, %get3A_227 : vector<16xf32>
        %max3A_229 = arith.constant 0.000000e+00 : f32
        %max3A_230 = vector.broadcast %max3A_229 : f32 to vector<16xf32>
        %max3A_231 = arith.maximumf %add3A_228, %max3A_230 : vector<16xf32>
        %swap3A_232 = arith.index_cast %scan3A_171 : i32 to index
        %swap3A_233 = arith.constant 48 : index
        %swap3A_234 = tpu.vector_load %arg9[%swap3A_232, %swap3A_233] {strides = array<i32>} : memref<80x128xf32, #tpu.memory_space<vmem>>, vector<1x16xf32>,
        %swap3A_235 = vector.shape_cast %swap3A_234 : vector<1x16xf32> to vector<16xf32>
        %swap3A_236 = vector.shape_cast %max3A_231 : vector<16xf32> to vector<1x16xf32>
        tpu.vector_store %arg9[%swap3A_232, %swap3A_233], %swap3A_236 {strides = array<i32>} : memref<80x128xf32, #tpu.memory_space<vmem>>, vector<1x16xf32>,
        %get3A_237 = arith.index_cast %scan3A_171 : i32 to index
        %get3A_238 = arith.constant 64 : index
        %get3A_239 = tpu.vector_load %arg9[%get3A_237, %get3A_238] {strides = array<i32>} : memref<80x128xf32, #tpu.memory_space<vmem>>, vector<1x16xf32>,
        %get3A_240 = vector.shape_cast %get3A_239 : vector<1x16xf32> to vector<16xf32>
        %get3A_241 = arith.index_cast %scan3A_171 : i32 to index
        %get3A_242 = arith.constant 64 : index
        %get3A_243 = tpu.vector_load %arg10[%get3A_241, %get3A_242] {strides = array<i32>} : memref<80x128xf32, #tpu.memory_space<vmem>>, vector<1x16xf32>,
        %get3A_244 = vector.shape_cast %get3A_243 : vector<1x16xf32> to vector<16xf32>
        %add3A_245 = arith.addf %get3A_240, %get3A_244 : vector<16xf32>
        %max3A_246 = arith.constant 0.000000e+00 : f32
        %max3A_247 = vector.broadcast %max3A_246 : f32 to vector<16xf32>
        %max3A_248 = arith.maximumf %add3A_245, %max3A_247 : vector<16xf32>
        %swap3A_249 = arith.index_cast %scan3A_171 : i32 to index
        %swap3A_250 = arith.constant 64 : index
        %swap3A_251 = tpu.vector_load %arg9[%swap3A_249, %swap3A_250] {strides = array<i32>} : memref<80x128xf32, #tpu.memory_space<vmem>>, vector<1x16xf32>,
        %swap3A_252 = vector.shape_cast %swap3A_251 : vector<1x16xf32> to vector<16xf32>
        %swap3A_253 = vector.shape_cast %max3A_248 : vector<16xf32> to vector<1x16xf32>
        tpu.vector_store %arg9[%swap3A_249, %swap3A_250], %swap3A_253 {strides = array<i32>} : memref<80x128xf32, #tpu.memory_space<vmem>>, vector<1x16xf32>,
        %get3A_254 = arith.index_cast %scan3A_171 : i32 to index
        %get3A_255 = arith.constant 80 : index
        %get3A_256 = tpu.vector_load %arg9[%get3A_254, %get3A_255] {strides = array<i32>} : memref<80x128xf32, #tpu.memory_space<vmem>>, vector<1x16xf32>,
        %get3A_257 = vector.shape_cast %get3A_256 : vector<1x16xf32> to vector<16xf32>
        %get3A_258 = arith.index_cast %scan3A_171 : i32 to index
        %get3A_259 = arith.constant 80 : index
        %get3A_260 = tpu.vector_load %arg10[%get3A_258, %get3A_259] {strides = array<i32>} : memref<80x128xf32, #tpu.memory_space<vmem>>, vector<1x16xf32>,
        %get3A_261 = vector.shape_cast %get3A_260 : vector<1x16xf32> to vector<16xf32>
        %add3A_262 = arith.addf %get3A_257, %get3A_261 : vector<16xf32>
        %max3A_263 = arith.constant 0.000000e+00 : f32
        %max3A_264 = vector.broadcast %max3A_263 : f32 to vector<16xf32>
        %max3A_265 = arith.maximumf %add3A_262, %max3A_264 : vector<16xf32>
        %swap3A_266 = arith.index_cast %scan3A_171 : i32 to index
        %swap3A_267 = arith.constant 80 : index
        %swap3A_268 = tpu.vector_load %arg9[%swap3A_266, %swap3A_267] {strides = array<i32>} : memref<80x128xf32, #tpu.memory_space<vmem>>, vector<1x16xf32>,
        %swap3A_269 = vector.shape_cast %swap3A_268 : vector<1x16xf32> to vector<16xf32>
        %swap3A_270 = vector.shape_cast %max3A_265 : vector<16xf32> to vector<1x16xf32>
        tpu.vector_store %arg9[%swap3A_266, %swap3A_267], %swap3A_270 {strides = array<i32>} : memref<80x128xf32, #tpu.memory_space<vmem>>, vector<1x16xf32>,
        %get3A_271 = arith.index_cast %scan3A_171 : i32 to index
        %get3A_272 = arith.constant 96 : index
        %get3A_273 = tpu.vector_load %arg9[%get3A_271, %get3A_272] {strides = array<i32>} : memref<80x128xf32, #tpu.memory_space<vmem>>, vector<1x16xf32>,
        %get3A_274 = vector.shape_cast %get3A_273 : vector<1x16xf32> to vector<16xf32>
        %get3A_275 = arith.index_cast %scan3A_171 : i32 to index
        %get3A_276 = arith.constant 96 : index
        %get3A_277 = tpu.vector_load %arg10[%get3A_275, %get3A_276] {strides = array<i32>} : memref<80x128xf32, #tpu.memory_space<vmem>>, vector<1x16xf32>,
        %get3A_278 = vector.shape_cast %get3A_277 : vector<1x16xf32> to vector<16xf32>
        %add3A_279 = arith.addf %get3A_274, %get3A_278 : vector<16xf32>
        %max3A_280 = arith.constant 0.000000e+00 : f32
        %max3A_281 = vector.broadcast %max3A_280 : f32 to vector<16xf32>
        %max3A_282 = arith.maximumf %add3A_279, %max3A_281 : vector<16xf32>
        %swap3A_283 = arith.index_cast %scan3A_171 : i32 to index
        %swap3A_284 = arith.constant 96 : index
        %swap3A_285 = tpu.vector_load %arg9[%swap3A_283, %swap3A_284] {strides = array<i32>} : memref<80x128xf32, #tpu.memory_space<vmem>>, vector<1x16xf32>,
        %swap3A_286 = vector.shape_cast %swap3A_285 : vector<1x16xf32> to vector<16xf32>
        %swap3A_287 = vector.shape_cast %max3A_282 : vector<16xf32> to vector<1x16xf32>
        tpu.vector_store %arg9[%swap3A_283, %swap3A_284], %swap3A_287 {strides = array<i32>} : memref<80x128xf32, #tpu.memory_space<vmem>>, vector<1x16xf32>,
        %get3A_288 = arith.index_cast %scan3A_171 : i32 to index
        %get3A_289 = arith.constant 112 : index
        %get3A_290 = tpu.vector_load %arg9[%get3A_288, %get3A_289] {strides = array<i32>} : memref<80x128xf32, #tpu.memory_space<vmem>>, vector<1x16xf32>,
        %get3A_291 = vector.shape_cast %get3A_290 : vector<1x16xf32> to vector<16xf32>
        %get3A_292 = arith.index_cast %scan3A_171 : i32 to index
        %get3A_293 = arith.constant 112 : index
        %get3A_294 = tpu.vector_load %arg10[%get3A_292, %get3A_293] {strides = array<i32>} : memref<80x128xf32, #tpu.memory_space<vmem>>, vector<1x16xf32>,
        %get3A_295 = vector.shape_cast %get3A_294 : vector<1x16xf32> to vector<16xf32>
        %add3A_296 = arith.addf %get3A_291, %get3A_295 : vector<16xf32>
        %max3A_297 = arith.constant 0.000000e+00 : f32
        %max3A_298 = vector.broadcast %max3A_297 : f32 to vector<16xf32>
        %max3A_299 = arith.maximumf %add3A_296, %max3A_298 : vector<16xf32>
        %swap3A_300 = arith.index_cast %scan3A_171 : i32 to index
        %swap3A_301 = arith.constant 112 : index
        %swap3A_302 = tpu.vector_load %arg9[%swap3A_300, %swap3A_301] {strides = array<i32>} : memref<80x128xf32, #tpu.memory_space<vmem>>, vector<1x16xf32>,
        %swap3A_303 = vector.shape_cast %swap3A_302 : vector<1x16xf32> to vector<16xf32>
        %swap3A_304 = vector.shape_cast %max3A_299 : vector<16xf32> to vector<1x16xf32>
        tpu.vector_store %arg9[%swap3A_300, %swap3A_301], %swap3A_304 {strides = array<i32>} : memref<80x128xf32, #tpu.memory_space<vmem>>, vector<1x16xf32>,
      }
      %scan3A_170 = arith.constant 80 : i32
      "tpu.region"() ({
        %run_scoped3A = tpu.sem_alloc : memref<!tpu.dma_semaphore, #tpu.memory_space<semaphore_mem>>
        %dma_start3A_171 = arith.constant 0 : i32
        %dma_start3A_172 = arith.constant 0 : i32
        %dma_start3A_173 = tpu.memref_slice %arg11[%dma_start3A_171, %dma_start3A_172] : memref<10000x128xf32, #tpu.memory_space<vmem_shared>> -> memref<10000x128xf32, #tpu.memory_space<vmem_shared>>
        tpu.enqueue_indirect_dma source(%arg9 : memref<80x128xf32, #tpu.memory_space<vmem>>) target(%dma_start3A_173 : memref<10000x128xf32, #tpu.memory_space<vmem_shared>>) offsets(%arg8 : memref<80xi32, #tpu.memory_space<vmem>>) semaphore(%run_scoped3A : memref<!tpu.dma_semaphore, #tpu.memory_space<semaphore_mem>>) {add = true}
        %dma_wait3A_174 = arith.constant 0 : i32
        %dma_wait3A_175 = arith.constant 0 : i32
        %dma_wait3A_176 = tpu.memref_slice %arg11[%dma_wait3A_174, %dma_wait3A_175] : memref<10000x128xf32, #tpu.memory_space<vmem_shared>> -> memref<10000x128xf32, #tpu.memory_space<vmem_shared>>
        tpu.wait_indirect_dma semaphore(%run_scoped3A : memref<!tpu.dma_semaphore, #tpu.memory_space<semaphore_mem>>) src(%arg9 : memref<80x128xf32, #tpu.memory_space<vmem>>) dst(%dma_wait3A_176 : memref<10000x128xf32, #tpu.memory_space<vmem_shared>>)
        tpu.yield
      }) : () -> ()
    }
    %scan3A_81 = arith.constant 125 : i32
    %barrier3A_82 = arith.constant 0 : index
    tpu.barrier barrier_id(%barrier3A_82)
    %mul3A_83 = arith.constant 8 : i32
    %mul3A_84 = arith.muli %arg1, %mul3A_83 : i32
    %add3A_85 = arith.constant 0 : i32
    %add3A_86 = arith.addi %mul3A_84, %add3A_85 : i32
    %lt3A_87 = arith.constant 125 : i32
    %lt3A_88 = arith.cmpi slt, %add3A_86, %lt3A_87 : i32
    %convert_element_type3A_89 = arith.extui %lt3A_88 : i1 to i32
    %cond3A_90 = arith.constant 0 : i32
    %cond3A_91 = arith.cmpi ne, %convert_element_type3A_89, %cond3A_90 : i32
    scf.if %cond3A_91 {
      %mul3A_155 = arith.constant 80 : i32
      %mul3A_156 = arith.muli %add3A_86, %mul3A_155 : i32
      "tpu.region"() ({
        %run_scoped3A = tpu.sem_alloc : memref<!tpu.dma_semaphore, #tpu.memory_space<semaphore_mem>>
        %dma_start3A = arith.constant 0 : i32
        %dma_start3A_159 = tpu.memref_slice %arg11[%mul3A_156, %dma_start3A] : memref<10000x128xf32, #tpu.memory_space<vmem_shared>> -> memref<80x128xf32, #tpu.memory_space<vmem_shared>>
        %dma_start3A_160 = arith.constant 0 : i32
        %dma_start3A_161 = tpu.memref_slice %arg11[%mul3A_156, %dma_start3A_160] : memref<10000x128xf32, #tpu.memory_space<vmem_shared>> -> memref<80x128xf32, #tpu.memory_space<vmem_shared>>
        tpu.enqueue_dma source(%dma_start3A_161 : memref<80x128xf32, #tpu.memory_space<vmem_shared>>) target(%arg9 : memref<80x128xf32, #tpu.memory_space<vmem>>) target_semaphore(%run_scoped3A : memref<!tpu.dma_semaphore, #tpu.memory_space<semaphore_mem>>)
        %dma_wait3A = arith.constant 0 : i32
        %dma_wait3A_162 = tpu.memref_slice %arg11[%mul3A_156, %dma_wait3A] : memref<10000x128xf32, #tpu.memory_space<vmem_shared>> -> memref<80x128xf32, #tpu.memory_space<vmem_shared>>
        %dma_wait3A_163 = arith.constant 0 : i32
        %dma_wait3A_164 = tpu.memref_slice %arg11[%mul3A_156, %dma_wait3A_163] : memref<10000x128xf32, #tpu.memory_space<vmem_shared>> -> memref<80x128xf32, #tpu.memory_space<vmem_shared>>
        tpu.wait_dma2 semaphore(%run_scoped3A : memref<!tpu.dma_semaphore, #tpu.memory_space<semaphore_mem>>) src(%dma_wait3A_164 : memref<80x128xf32, #tpu.memory_space<vmem_shared>>) dst(%arg9 : memref<80x128xf32, #tpu.memory_space<vmem>>)
        tpu.yield
      }) : () -> ()
      %mul3A_157 = arith.constant 80 : i32
      %mul3A_158 = arith.muli %add3A_86, %mul3A_157 : i32
      "tpu.region"() ({
        %run_scoped3A = tpu.sem_alloc : memref<!tpu.dma_semaphore, #tpu.memory_space<semaphore_mem>>
        %dma_start3A = arith.constant 0 : i32
        %dma_start3A_159 = tpu.memref_slice %arg6[%arg0, %mul3A_158, %dma_start3A] : memref<2x10000x128xf32, #tpu.memory_space<hbm>> -> memref<1x80x128xf32, #tpu.memory_space<hbm>>
        %dma_start3A_160 = tpu.memref_squeeze %dma_start3A_159 : memref<1x80x128xf32, #tpu.memory_space<hbm>> -> memref<80x128xf32, #tpu.memory_space<hbm>>
        %dma_start3A_161 = arith.constant 0 : i32
        %dma_start3A_162 = tpu.memref_slice %arg6[%arg0, %mul3A_158, %dma_start3A_161] : memref<2x10000x128xf32, #tpu.memory_space<hbm>> -> memref<1x80x128xf32, #tpu.memory_space<hbm>>
        %dma_start3A_163 = tpu.memref_squeeze %dma_start3A_162 : memref<1x80x128xf32, #tpu.memory_space<hbm>> -> memref<80x128xf32, #tpu.memory_space<hbm>>
        tpu.enqueue_dma source(%arg9 : memref<80x128xf32, #tpu.memory_space<vmem>>) target(%dma_start3A_163 : memref<80x128xf32, #tpu.memory_space<hbm>>) target_semaphore(%run_scoped3A : memref<!tpu.dma_semaphore, #tpu.memory_space<semaphore_mem>>)
        %dma_wait3A = arith.constant 0 : i32
        %dma_wait3A_164 = tpu.memref_slice %arg6[%arg0, %mul3A_158, %dma_wait3A] : memref<2x10000x128xf32, #tpu.memory_space<hbm>> -> memref<1x80x128xf32, #tpu.memory_space<hbm>>
        %dma_wait3A_165 = tpu.memref_squeeze %dma_wait3A_164 : memref<1x80x128xf32, #tpu.memory_space<hbm>> -> memref<80x128xf32, #tpu.memory_space<hbm>>
        %dma_wait3A_166 = arith.constant 0 : i32
        %dma_wait3A_167 = tpu.memref_slice %arg6[%arg0, %mul3A_158, %dma_wait3A_166] : memref<2x10000x128xf32, #tpu.memory_space<hbm>> -> memref<1x80x128xf32, #tpu.memory_space<hbm>>
        %dma_wait3A_168 = tpu.memref_squeeze %dma_wait3A_167 : memref<1x80x128xf32, #tpu.memory_space<hbm>> -> memref<80x128xf32, #tpu.memory_space<hbm>>
        tpu.wait_dma2 semaphore(%run_scoped3A : memref<!tpu.dma_semaphore, #tpu.memory_space<semaphore_mem>>) src(%arg9 : memref<80x128xf32, #tpu.memory_space<vmem>>) dst(%dma_wait3A_168 : memref<80x128xf32, #tpu.memory_space<hbm>>)
        tpu.yield
      }) : () -> ()
    } else {
    }
    %mul3A_92 = arith.constant 8 : i32
    %mul3A_93 = arith.muli %arg1, %mul3A_92 : i32
    %add3A_94 = arith.constant 1 : i32
    %add3A_95 = arith.addi %mul3A_93, %add3A_94 : i32
    %lt3A_96 = arith.constant 125 : i32
    %lt3A_97 = arith.cmpi slt, %add3A_95, %lt3A_96 : i32
    %convert_element_type3A_98 = arith.extui %lt3A_97 : i1 to i32
    %cond3A_99 = arith.constant 0 : i32
    %cond3A_100 = arith.cmpi ne, %convert_element_type3A_98, %cond3A_99 : i32
    scf.if %cond3A_100 {
      %mul3A_155 = arith.constant 80 : i32
      %mul3A_156 = arith.muli %add3A_95, %mul3A_155 : i32
      "tpu.region"() ({
        %run_scoped3A = tpu.sem_alloc : memref<!tpu.dma_semaphore, #tpu.memory_space<semaphore_mem>>
        %dma_start3A = arith.constant 0 : i32
        %dma_start3A_159 = tpu.memref_slice %arg11[%mul3A_156, %dma_start3A] : memref<10000x128xf32, #tpu.memory_space<vmem_shared>> -> memref<80x128xf32, #tpu.memory_space<vmem_shared>>
        %dma_start3A_160 = arith.constant 0 : i32
        %dma_start3A_161 = tpu.memref_slice %arg11[%mul3A_156, %dma_start3A_160] : memref<10000x128xf32, #tpu.memory_space<vmem_shared>> -> memref<80x128xf32, #tpu.memory_space<vmem_shared>>
        tpu.enqueue_dma source(%dma_start3A_161 : memref<80x128xf32, #tpu.memory_space<vmem_shared>>) target(%arg9 : memref<80x128xf32, #tpu.memory_space<vmem>>) target_semaphore(%run_scoped3A : memref<!tpu.dma_semaphore, #tpu.memory_space<semaphore_mem>>)
        %dma_wait3A = arith.constant 0 : i32
        %dma_wait3A_162 = tpu.memref_slice %arg11[%mul3A_156, %dma_wait3A] : memref<10000x128xf32, #tpu.memory_space<vmem_shared>> -> memref<80x128xf32, #tpu.memory_space<vmem_shared>>
        %dma_wait3A_163 = arith.constant 0 : i32
        %dma_wait3A_164 = tpu.memref_slice %arg11[%mul3A_156, %dma_wait3A_163] : memref<10000x128xf32, #tpu.memory_space<vmem_shared>> -> memref<80x128xf32, #tpu.memory_space<vmem_shared>>
        tpu.wait_dma2 semaphore(%run_scoped3A : memref<!tpu.dma_semaphore, #tpu.memory_space<semaphore_mem>>) src(%dma_wait3A_164 : memref<80x128xf32, #tpu.memory_space<vmem_shared>>) dst(%arg9 : memref<80x128xf32, #tpu.memory_space<vmem>>)
        tpu.yield
      }) : () -> ()
      %mul3A_157 = arith.constant 80 : i32
      %mul3A_158 = arith.muli %add3A_95, %mul3A_157 : i32
      "tpu.region"() ({
        %run_scoped3A = tpu.sem_alloc : memref<!tpu.dma_semaphore, #tpu.memory_space<semaphore_mem>>
        %dma_start3A = arith.constant 0 : i32
        %dma_start3A_159 = tpu.memref_slice %arg6[%arg0, %mul3A_158, %dma_start3A] : memref<2x10000x128xf32, #tpu.memory_space<hbm>> -> memref<1x80x128xf32, #tpu.memory_space<hbm>>
        %dma_start3A_160 = tpu.memref_squeeze %dma_start3A_159 : memref<1x80x128xf32, #tpu.memory_space<hbm>> -> memref<80x128xf32, #tpu.memory_space<hbm>>
        %dma_start3A_161 = arith.constant 0 : i32
        %dma_start3A_162 = tpu.memref_slice %arg6[%arg0, %mul3A_158, %dma_start3A_161] : memref<2x10000x128xf32, #tpu.memory_space<hbm>> -> memref<1x80x128xf32, #tpu.memory_space<hbm>>
        %dma_start3A_163 = tpu.memref_squeeze %dma_start3A_162 : memref<1x80x128xf32, #tpu.memory_space<hbm>> -> memref<80x128xf32, #tpu.memory_space<hbm>>
        tpu.enqueue_dma source(%arg9 : memref<80x128xf32, #tpu.memory_space<vmem>>) target(%dma_start3A_163 : memref<80x128xf32, #tpu.memory_space<hbm>>) target_semaphore(%run_scoped3A : memref<!tpu.dma_semaphore, #tpu.memory_space<semaphore_mem>>)
        %dma_wait3A = arith.constant 0 : i32
        %dma_wait3A_164 = tpu.memref_slice %arg6[%arg0, %mul3A_158, %dma_wait3A] : memref<2x10000x128xf32, #tpu.memory_space<hbm>> -> memref<1x80x128xf32, #tpu.memory_space<hbm>>
        %dma_wait3A_165 = tpu.memref_squeeze %dma_wait3A_164 : memref<1x80x128xf32, #tpu.memory_space<hbm>> -> memref<80x128xf32, #tpu.memory_space<hbm>>
        %dma_wait3A_166 = arith.constant 0 : i32
        %dma_wait3A_167 = tpu.memref_slice %arg6[%arg0, %mul3A_158, %dma_wait3A_166] : memref<2x10000x128xf32, #tpu.memory_space<hbm>> -> memref<1x80x128xf32, #tpu.memory_space<hbm>>
        %dma_wait3A_168 = tpu.memref_squeeze %dma_wait3A_167 : memref<1x80x128xf32, #tpu.memory_space<hbm>> -> memref<80x128xf32, #tpu.memory_space<hbm>>
        tpu.wait_dma2 semaphore(%run_scoped3A : memref<!tpu.dma_semaphore, #tpu.memory_space<semaphore_mem>>) src(%arg9 : memref<80x128xf32, #tpu.memory_space<vmem>>) dst(%dma_wait3A_168 : memref<80x128xf32, #tpu.memory_space<hbm>>)
        tpu.yield
      }) : () -> ()
    } else {
    }
    %mul3A_101 = arith.constant 8 : i32
    %mul3A_102 = arith.muli %arg1, %mul3A_101 : i32
    %add3A_103 = arith.constant 2 : i32
    %add3A_104 = arith.addi %mul3A_102, %add3A_103 : i32
    %lt3A_105 = arith.constant 125 : i32
    %lt3A_106 = arith.cmpi slt, %add3A_104, %lt3A_105 : i32
    %convert_element_type3A_107 = arith.extui %lt3A_106 : i1 to i32
    %cond3A_108 = arith.constant 0 : i32
    %cond3A_109 = arith.cmpi ne, %convert_element_type3A_107, %cond3A_108 : i32
    scf.if %cond3A_109 {
      %mul3A_155 = arith.constant 80 : i32
      %mul3A_156 = arith.muli %add3A_104, %mul3A_155 : i32
      "tpu.region"() ({
        %run_scoped3A = tpu.sem_alloc : memref<!tpu.dma_semaphore, #tpu.memory_space<semaphore_mem>>
        %dma_start3A = arith.constant 0 : i32
        %dma_start3A_159 = tpu.memref_slice %arg11[%mul3A_156, %dma_start3A] : memref<10000x128xf32, #tpu.memory_space<vmem_shared>> -> memref<80x128xf32, #tpu.memory_space<vmem_shared>>
        %dma_start3A_160 = arith.constant 0 : i32
        %dma_start3A_161 = tpu.memref_slice %arg11[%mul3A_156, %dma_start3A_160] : memref<10000x128xf32, #tpu.memory_space<vmem_shared>> -> memref<80x128xf32, #tpu.memory_space<vmem_shared>>
        tpu.enqueue_dma source(%dma_start3A_161 : memref<80x128xf32, #tpu.memory_space<vmem_shared>>) target(%arg9 : memref<80x128xf32, #tpu.memory_space<vmem>>) target_semaphore(%run_scoped3A : memref<!tpu.dma_semaphore, #tpu.memory_space<semaphore_mem>>)
        %dma_wait3A = arith.constant 0 : i32
        %dma_wait3A_162 = tpu.memref_slice %arg11[%mul3A_156, %dma_wait3A] : memref<10000x128xf32, #tpu.memory_space<vmem_shared>> -> memref<80x128xf32, #tpu.memory_space<vmem_shared>>
        %dma_wait3A_163 = arith.constant 0 : i32
        %dma_wait3A_164 = tpu.memref_slice %arg11[%mul3A_156, %dma_wait3A_163] : memref<10000x128xf32, #tpu.memory_space<vmem_shared>> -> memref<80x128xf32, #tpu.memory_space<vmem_shared>>
        tpu.wait_dma2 semaphore(%run_scoped3A : memref<!tpu.dma_semaphore, #tpu.memory_space<semaphore_mem>>) src(%dma_wait3A_164 : memref<80x128xf32, #tpu.memory_space<vmem_shared>>) dst(%arg9 : memref<80x128xf32, #tpu.memory_space<vmem>>)
        tpu.yield
      }) : () -> ()
      %mul3A_157 = arith.constant 80 : i32
      %mul3A_158 = arith.muli %add3A_104, %mul3A_157 : i32
      "tpu.region"() ({
        %run_scoped3A = tpu.sem_alloc : memref<!tpu.dma_semaphore, #tpu.memory_space<semaphore_mem>>
        %dma_start3A = arith.constant 0 : i32
        %dma_start3A_159 = tpu.memref_slice %arg6[%arg0, %mul3A_158, %dma_start3A] : memref<2x10000x128xf32, #tpu.memory_space<hbm>> -> memref<1x80x128xf32, #tpu.memory_space<hbm>>
        %dma_start3A_160 = tpu.memref_squeeze %dma_start3A_159 : memref<1x80x128xf32, #tpu.memory_space<hbm>> -> memref<80x128xf32, #tpu.memory_space<hbm>>
        %dma_start3A_161 = arith.constant 0 : i32
        %dma_start3A_162 = tpu.memref_slice %arg6[%arg0, %mul3A_158, %dma_start3A_161] : memref<2x10000x128xf32, #tpu.memory_space<hbm>> -> memref<1x80x128xf32, #tpu.memory_space<hbm>>
        %dma_start3A_163 = tpu.memref_squeeze %dma_start3A_162 : memref<1x80x128xf32, #tpu.memory_space<hbm>> -> memref<80x128xf32, #tpu.memory_space<hbm>>
        tpu.enqueue_dma source(%arg9 : memref<80x128xf32, #tpu.memory_space<vmem>>) target(%dma_start3A_163 : memref<80x128xf32, #tpu.memory_space<hbm>>) target_semaphore(%run_scoped3A : memref<!tpu.dma_semaphore, #tpu.memory_space<semaphore_mem>>)
        %dma_wait3A = arith.constant 0 : i32
        %dma_wait3A_164 = tpu.memref_slice %arg6[%arg0, %mul3A_158, %dma_wait3A] : memref<2x10000x128xf32, #tpu.memory_space<hbm>> -> memref<1x80x128xf32, #tpu.memory_space<hbm>>
        %dma_wait3A_165 = tpu.memref_squeeze %dma_wait3A_164 : memref<1x80x128xf32, #tpu.memory_space<hbm>> -> memref<80x128xf32, #tpu.memory_space<hbm>>
        %dma_wait3A_166 = arith.constant 0 : i32
        %dma_wait3A_167 = tpu.memref_slice %arg6[%arg0, %mul3A_158, %dma_wait3A_166] : memref<2x10000x128xf32, #tpu.memory_space<hbm>> -> memref<1x80x128xf32, #tpu.memory_space<hbm>>
        %dma_wait3A_168 = tpu.memref_squeeze %dma_wait3A_167 : memref<1x80x128xf32, #tpu.memory_space<hbm>> -> memref<80x128xf32, #tpu.memory_space<hbm>>
        tpu.wait_dma2 semaphore(%run_scoped3A : memref<!tpu.dma_semaphore, #tpu.memory_space<semaphore_mem>>) src(%arg9 : memref<80x128xf32, #tpu.memory_space<vmem>>) dst(%dma_wait3A_168 : memref<80x128xf32, #tpu.memory_space<hbm>>)
        tpu.yield
      }) : () -> ()
    } else {
    }
    %mul3A_110 = arith.constant 8 : i32
    %mul3A_111 = arith.muli %arg1, %mul3A_110 : i32
    %add3A_112 = arith.constant 3 : i32
    %add3A_113 = arith.addi %mul3A_111, %add3A_112 : i32
    %lt3A_114 = arith.constant 125 : i32
    %lt3A_115 = arith.cmpi slt, %add3A_113, %lt3A_114 : i32
    %convert_element_type3A_116 = arith.extui %lt3A_115 : i1 to i32
    %cond3A_117 = arith.constant 0 : i32
    %cond3A_118 = arith.cmpi ne, %convert_element_type3A_116, %cond3A_117 : i32
    scf.if %cond3A_118 {
      %mul3A_155 = arith.constant 80 : i32
      %mul3A_156 = arith.muli %add3A_113, %mul3A_155 : i32
      "tpu.region"() ({
        %run_scoped3A = tpu.sem_alloc : memref<!tpu.dma_semaphore, #tpu.memory_space<semaphore_mem>>
        %dma_start3A = arith.constant 0 : i32
        %dma_start3A_159 = tpu.memref_slice %arg11[%mul3A_156, %dma_start3A] : memref<10000x128xf32, #tpu.memory_space<vmem_shared>> -> memref<80x128xf32, #tpu.memory_space<vmem_shared>>
        %dma_start3A_160 = arith.constant 0 : i32
        %dma_start3A_161 = tpu.memref_slice %arg11[%mul3A_156, %dma_start3A_160] : memref<10000x128xf32, #tpu.memory_space<vmem_shared>> -> memref<80x128xf32, #tpu.memory_space<vmem_shared>>
        tpu.enqueue_dma source(%dma_start3A_161 : memref<80x128xf32, #tpu.memory_space<vmem_shared>>) target(%arg9 : memref<80x128xf32, #tpu.memory_space<vmem>>) target_semaphore(%run_scoped3A : memref<!tpu.dma_semaphore, #tpu.memory_space<semaphore_mem>>)
        %dma_wait3A = arith.constant 0 : i32
        %dma_wait3A_162 = tpu.memref_slice %arg11[%mul3A_156, %dma_wait3A] : memref<10000x128xf32, #tpu.memory_space<vmem_shared>> -> memref<80x128xf32, #tpu.memory_space<vmem_shared>>
        %dma_wait3A_163 = arith.constant 0 : i32
        %dma_wait3A_164 = tpu.memref_slice %arg11[%mul3A_156, %dma_wait3A_163] : memref<10000x128xf32, #tpu.memory_space<vmem_shared>> -> memref<80x128xf32, #tpu.memory_space<vmem_shared>>
        tpu.wait_dma2 semaphore(%run_scoped3A : memref<!tpu.dma_semaphore, #tpu.memory_space<semaphore_mem>>) src(%dma_wait3A_164 : memref<80x128xf32, #tpu.memory_space<vmem_shared>>) dst(%arg9 : memref<80x128xf32, #tpu.memory_space<vmem>>)
        tpu.yield
      }) : () -> ()
      %mul3A_157 = arith.constant 80 : i32
      %mul3A_158 = arith.muli %add3A_113, %mul3A_157 : i32
      "tpu.region"() ({
        %run_scoped3A = tpu.sem_alloc : memref<!tpu.dma_semaphore, #tpu.memory_space<semaphore_mem>>
        %dma_start3A = arith.constant 0 : i32
        %dma_start3A_159 = tpu.memref_slice %arg6[%arg0, %mul3A_158, %dma_start3A] : memref<2x10000x128xf32, #tpu.memory_space<hbm>> -> memref<1x80x128xf32, #tpu.memory_space<hbm>>
        %dma_start3A_160 = tpu.memref_squeeze %dma_start3A_159 : memref<1x80x128xf32, #tpu.memory_space<hbm>> -> memref<80x128xf32, #tpu.memory_space<hbm>>
        %dma_start3A_161 = arith.constant 0 : i32
        %dma_start3A_162 = tpu.memref_slice %arg6[%arg0, %mul3A_158, %dma_start3A_161] : memref<2x10000x128xf32, #tpu.memory_space<hbm>> -> memref<1x80x128xf32, #tpu.memory_space<hbm>>
        %dma_start3A_163 = tpu.memref_squeeze %dma_start3A_162 : memref<1x80x128xf32, #tpu.memory_space<hbm>> -> memref<80x128xf32, #tpu.memory_space<hbm>>
        tpu.enqueue_dma source(%arg9 : memref<80x128xf32, #tpu.memory_space<vmem>>) target(%dma_start3A_163 : memref<80x128xf32, #tpu.memory_space<hbm>>) target_semaphore(%run_scoped3A : memref<!tpu.dma_semaphore, #tpu.memory_space<semaphore_mem>>)
        %dma_wait3A = arith.constant 0 : i32
        %dma_wait3A_164 = tpu.memref_slice %arg6[%arg0, %mul3A_158, %dma_wait3A] : memref<2x10000x128xf32, #tpu.memory_space<hbm>> -> memref<1x80x128xf32, #tpu.memory_space<hbm>>
        %dma_wait3A_165 = tpu.memref_squeeze %dma_wait3A_164 : memref<1x80x128xf32, #tpu.memory_space<hbm>> -> memref<80x128xf32, #tpu.memory_space<hbm>>
        %dma_wait3A_166 = arith.constant 0 : i32
        %dma_wait3A_167 = tpu.memref_slice %arg6[%arg0, %mul3A_158, %dma_wait3A_166] : memref<2x10000x128xf32, #tpu.memory_space<hbm>> -> memref<1x80x128xf32, #tpu.memory_space<hbm>>
        %dma_wait3A_168 = tpu.memref_squeeze %dma_wait3A_167 : memref<1x80x128xf32, #tpu.memory_space<hbm>> -> memref<80x128xf32, #tpu.memory_space<hbm>>
        tpu.wait_dma2 semaphore(%run_scoped3A : memref<!tpu.dma_semaphore, #tpu.memory_space<semaphore_mem>>) src(%arg9 : memref<80x128xf32, #tpu.memory_space<vmem>>) dst(%dma_wait3A_168 : memref<80x128xf32, #tpu.memory_space<hbm>>)
        tpu.yield
      }) : () -> ()
    } else {
    }
    %mul3A_119 = arith.constant 8 : i32
    %mul3A_120 = arith.muli %arg1, %mul3A_119 : i32
    %add3A_121 = arith.constant 4 : i32
    %add3A_122 = arith.addi %mul3A_120, %add3A_121 : i32
    %lt3A_123 = arith.constant 125 : i32
    %lt3A_124 = arith.cmpi slt, %add3A_122, %lt3A_123 : i32
    %convert_element_type3A_125 = arith.extui %lt3A_124 : i1 to i32
    %cond3A_126 = arith.constant 0 : i32
    %cond3A_127 = arith.cmpi ne, %convert_element_type3A_125, %cond3A_126 : i32
    scf.if %cond3A_127 {
      %mul3A_155 = arith.constant 80 : i32
      %mul3A_156 = arith.muli %add3A_122, %mul3A_155 : i32
      "tpu.region"() ({
        %run_scoped3A = tpu.sem_alloc : memref<!tpu.dma_semaphore, #tpu.memory_space<semaphore_mem>>
        %dma_start3A = arith.constant 0 : i32
        %dma_start3A_159 = tpu.memref_slice %arg11[%mul3A_156, %dma_start3A] : memref<10000x128xf32, #tpu.memory_space<vmem_shared>> -> memref<80x128xf32, #tpu.memory_space<vmem_shared>>
        %dma_start3A_160 = arith.constant 0 : i32
        %dma_start3A_161 = tpu.memref_slice %arg11[%mul3A_156, %dma_start3A_160] : memref<10000x128xf32, #tpu.memory_space<vmem_shared>> -> memref<80x128xf32, #tpu.memory_space<vmem_shared>>
        tpu.enqueue_dma source(%dma_start3A_161 : memref<80x128xf32, #tpu.memory_space<vmem_shared>>) target(%arg9 : memref<80x128xf32, #tpu.memory_space<vmem>>) target_semaphore(%run_scoped3A : memref<!tpu.dma_semaphore, #tpu.memory_space<semaphore_mem>>)
        %dma_wait3A = arith.constant 0 : i32
        %dma_wait3A_162 = tpu.memref_slice %arg11[%mul3A_156, %dma_wait3A] : memref<10000x128xf32, #tpu.memory_space<vmem_shared>> -> memref<80x128xf32, #tpu.memory_space<vmem_shared>>
        %dma_wait3A_163 = arith.constant 0 : i32
        %dma_wait3A_164 = tpu.memref_slice %arg11[%mul3A_156, %dma_wait3A_163] : memref<10000x128xf32, #tpu.memory_space<vmem_shared>> -> memref<80x128xf32, #tpu.memory_space<vmem_shared>>
        tpu.wait_dma2 semaphore(%run_scoped3A : memref<!tpu.dma_semaphore, #tpu.memory_space<semaphore_mem>>) src(%dma_wait3A_164 : memref<80x128xf32, #tpu.memory_space<vmem_shared>>) dst(%arg9 : memref<80x128xf32, #tpu.memory_space<vmem>>)
        tpu.yield
      }) : () -> ()
      %mul3A_157 = arith.constant 80 : i32
      %mul3A_158 = arith.muli %add3A_122, %mul3A_157 : i32
      "tpu.region"() ({
        %run_scoped3A = tpu.sem_alloc : memref<!tpu.dma_semaphore, #tpu.memory_space<semaphore_mem>>
        %dma_start3A = arith.constant 0 : i32
        %dma_start3A_159 = tpu.memref_slice %arg6[%arg0, %mul3A_158, %dma_start3A] : memref<2x10000x128xf32, #tpu.memory_space<hbm>> -> memref<1x80x128xf32, #tpu.memory_space<hbm>>
        %dma_start3A_160 = tpu.memref_squeeze %dma_start3A_159 : memref<1x80x128xf32, #tpu.memory_space<hbm>> -> memref<80x128xf32, #tpu.memory_space<hbm>>
        %dma_start3A_161 = arith.constant 0 : i32
        %dma_start3A_162 = tpu.memref_slice %arg6[%arg0, %mul3A_158, %dma_start3A_161] : memref<2x10000x128xf32, #tpu.memory_space<hbm>> -> memref<1x80x128xf32, #tpu.memory_space<hbm>>
        %dma_start3A_163 = tpu.memref_squeeze %dma_start3A_162 : memref<1x80x128xf32, #tpu.memory_space<hbm>> -> memref<80x128xf32, #tpu.memory_space<hbm>>
        tpu.enqueue_dma source(%arg9 : memref<80x128xf32, #tpu.memory_space<vmem>>) target(%dma_start3A_163 : memref<80x128xf32, #tpu.memory_space<hbm>>) target_semaphore(%run_scoped3A : memref<!tpu.dma_semaphore, #tpu.memory_space<semaphore_mem>>)
        %dma_wait3A = arith.constant 0 : i32
        %dma_wait3A_164 = tpu.memref_slice %arg6[%arg0, %mul3A_158, %dma_wait3A] : memref<2x10000x128xf32, #tpu.memory_space<hbm>> -> memref<1x80x128xf32, #tpu.memory_space<hbm>>
        %dma_wait3A_165 = tpu.memref_squeeze %dma_wait3A_164 : memref<1x80x128xf32, #tpu.memory_space<hbm>> -> memref<80x128xf32, #tpu.memory_space<hbm>>
        %dma_wait3A_166 = arith.constant 0 : i32
        %dma_wait3A_167 = tpu.memref_slice %arg6[%arg0, %mul3A_158, %dma_wait3A_166] : memref<2x10000x128xf32, #tpu.memory_space<hbm>> -> memref<1x80x128xf32, #tpu.memory_space<hbm>>
        %dma_wait3A_168 = tpu.memref_squeeze %dma_wait3A_167 : memref<1x80x128xf32, #tpu.memory_space<hbm>> -> memref<80x128xf32, #tpu.memory_space<hbm>>
        tpu.wait_dma2 semaphore(%run_scoped3A : memref<!tpu.dma_semaphore, #tpu.memory_space<semaphore_mem>>) src(%arg9 : memref<80x128xf32, #tpu.memory_space<vmem>>) dst(%dma_wait3A_168 : memref<80x128xf32, #tpu.memory_space<hbm>>)
        tpu.yield
      }) : () -> ()
    } else {
    }
    %mul3A_128 = arith.constant 8 : i32
    %mul3A_129 = arith.muli %arg1, %mul3A_128 : i32
    %add3A_130 = arith.constant 5 : i32
    %add3A_131 = arith.addi %mul3A_129, %add3A_130 : i32
    %lt3A_132 = arith.constant 125 : i32
    %lt3A_133 = arith.cmpi slt, %add3A_131, %lt3A_132 : i32
    %convert_element_type3A_134 = arith.extui %lt3A_133 : i1 to i32
    %cond3A_135 = arith.constant 0 : i32
    %cond3A_136 = arith.cmpi ne, %convert_element_type3A_134, %cond3A_135 : i32
    scf.if %cond3A_136 {
      %mul3A_155 = arith.constant 80 : i32
      %mul3A_156 = arith.muli %add3A_131, %mul3A_155 : i32
      "tpu.region"() ({
        %run_scoped3A = tpu.sem_alloc : memref<!tpu.dma_semaphore, #tpu.memory_space<semaphore_mem>>
        %dma_start3A = arith.constant 0 : i32
        %dma_start3A_159 = tpu.memref_slice %arg11[%mul3A_156, %dma_start3A] : memref<10000x128xf32, #tpu.memory_space<vmem_shared>> -> memref<80x128xf32, #tpu.memory_space<vmem_shared>>
        %dma_start3A_160 = arith.constant 0 : i32
        %dma_start3A_161 = tpu.memref_slice %arg11[%mul3A_156, %dma_start3A_160] : memref<10000x128xf32, #tpu.memory_space<vmem_shared>> -> memref<80x128xf32, #tpu.memory_space<vmem_shared>>
        tpu.enqueue_dma source(%dma_start3A_161 : memref<80x128xf32, #tpu.memory_space<vmem_shared>>) target(%arg9 : memref<80x128xf32, #tpu.memory_space<vmem>>) target_semaphore(%run_scoped3A : memref<!tpu.dma_semaphore, #tpu.memory_space<semaphore_mem>>)
        %dma_wait3A = arith.constant 0 : i32
        %dma_wait3A_162 = tpu.memref_slice %arg11[%mul3A_156, %dma_wait3A] : memref<10000x128xf32, #tpu.memory_space<vmem_shared>> -> memref<80x128xf32, #tpu.memory_space<vmem_shared>>
        %dma_wait3A_163 = arith.constant 0 : i32
        %dma_wait3A_164 = tpu.memref_slice %arg11[%mul3A_156, %dma_wait3A_163] : memref<10000x128xf32, #tpu.memory_space<vmem_shared>> -> memref<80x128xf32, #tpu.memory_space<vmem_shared>>
        tpu.wait_dma2 semaphore(%run_scoped3A : memref<!tpu.dma_semaphore, #tpu.memory_space<semaphore_mem>>) src(%dma_wait3A_164 : memref<80x128xf32, #tpu.memory_space<vmem_shared>>) dst(%arg9 : memref<80x128xf32, #tpu.memory_space<vmem>>)
        tpu.yield
      }) : () -> ()
      %mul3A_157 = arith.constant 80 : i32
      %mul3A_158 = arith.muli %add3A_131, %mul3A_157 : i32
      "tpu.region"() ({
        %run_scoped3A = tpu.sem_alloc : memref<!tpu.dma_semaphore, #tpu.memory_space<semaphore_mem>>
        %dma_start3A = arith.constant 0 : i32
        %dma_start3A_159 = tpu.memref_slice %arg6[%arg0, %mul3A_158, %dma_start3A] : memref<2x10000x128xf32, #tpu.memory_space<hbm>> -> memref<1x80x128xf32, #tpu.memory_space<hbm>>
        %dma_start3A_160 = tpu.memref_squeeze %dma_start3A_159 : memref<1x80x128xf32, #tpu.memory_space<hbm>> -> memref<80x128xf32, #tpu.memory_space<hbm>>
        %dma_start3A_161 = arith.constant 0 : i32
        %dma_start3A_162 = tpu.memref_slice %arg6[%arg0, %mul3A_158, %dma_start3A_161] : memref<2x10000x128xf32, #tpu.memory_space<hbm>> -> memref<1x80x128xf32, #tpu.memory_space<hbm>>
        %dma_start3A_163 = tpu.memref_squeeze %dma_start3A_162 : memref<1x80x128xf32, #tpu.memory_space<hbm>> -> memref<80x128xf32, #tpu.memory_space<hbm>>
        tpu.enqueue_dma source(%arg9 : memref<80x128xf32, #tpu.memory_space<vmem>>) target(%dma_start3A_163 : memref<80x128xf32, #tpu.memory_space<hbm>>) target_semaphore(%run_scoped3A : memref<!tpu.dma_semaphore, #tpu.memory_space<semaphore_mem>>)
        %dma_wait3A = arith.constant 0 : i32
        %dma_wait3A_164 = tpu.memref_slice %arg6[%arg0, %mul3A_158, %dma_wait3A] : memref<2x10000x128xf32, #tpu.memory_space<hbm>> -> memref<1x80x128xf32, #tpu.memory_space<hbm>>
        %dma_wait3A_165 = tpu.memref_squeeze %dma_wait3A_164 : memref<1x80x128xf32, #tpu.memory_space<hbm>> -> memref<80x128xf32, #tpu.memory_space<hbm>>
        %dma_wait3A_166 = arith.constant 0 : i32
        %dma_wait3A_167 = tpu.memref_slice %arg6[%arg0, %mul3A_158, %dma_wait3A_166] : memref<2x10000x128xf32, #tpu.memory_space<hbm>> -> memref<1x80x128xf32, #tpu.memory_space<hbm>>
        %dma_wait3A_168 = tpu.memref_squeeze %dma_wait3A_167 : memref<1x80x128xf32, #tpu.memory_space<hbm>> -> memref<80x128xf32, #tpu.memory_space<hbm>>
        tpu.wait_dma2 semaphore(%run_scoped3A : memref<!tpu.dma_semaphore, #tpu.memory_space<semaphore_mem>>) src(%arg9 : memref<80x128xf32, #tpu.memory_space<vmem>>) dst(%dma_wait3A_168 : memref<80x128xf32, #tpu.memory_space<hbm>>)
        tpu.yield
      }) : () -> ()
    } else {
    }
    %mul3A_137 = arith.constant 8 : i32
    %mul3A_138 = arith.muli %arg1, %mul3A_137 : i32
    %add3A_139 = arith.constant 6 : i32
    %add3A_140 = arith.addi %mul3A_138, %add3A_139 : i32
    %lt3A_141 = arith.constant 125 : i32
    %lt3A_142 = arith.cmpi slt, %add3A_140, %lt3A_141 : i32
    %convert_element_type3A_143 = arith.extui %lt3A_142 : i1 to i32
    %cond3A_144 = arith.constant 0 : i32
    %cond3A_145 = arith.cmpi ne, %convert_element_type3A_143, %cond3A_144 : i32
    scf.if %cond3A_145 {
      %mul3A_155 = arith.constant 80 : i32
      %mul3A_156 = arith.muli %add3A_140, %mul3A_155 : i32
      "tpu.region"() ({
        %run_scoped3A = tpu.sem_alloc : memref<!tpu.dma_semaphore, #tpu.memory_space<semaphore_mem>>
        %dma_start3A = arith.constant 0 : i32
        %dma_start3A_159 = tpu.memref_slice %arg11[%mul3A_156, %dma_start3A] : memref<10000x128xf32, #tpu.memory_space<vmem_shared>> -> memref<80x128xf32, #tpu.memory_space<vmem_shared>>
        %dma_start3A_160 = arith.constant 0 : i32
        %dma_start3A_161 = tpu.memref_slice %arg11[%mul3A_156, %dma_start3A_160] : memref<10000x128xf32, #tpu.memory_space<vmem_shared>> -> memref<80x128xf32, #tpu.memory_space<vmem_shared>>
        tpu.enqueue_dma source(%dma_start3A_161 : memref<80x128xf32, #tpu.memory_space<vmem_shared>>) target(%arg9 : memref<80x128xf32, #tpu.memory_space<vmem>>) target_semaphore(%run_scoped3A : memref<!tpu.dma_semaphore, #tpu.memory_space<semaphore_mem>>)
        %dma_wait3A = arith.constant 0 : i32
        %dma_wait3A_162 = tpu.memref_slice %arg11[%mul3A_156, %dma_wait3A] : memref<10000x128xf32, #tpu.memory_space<vmem_shared>> -> memref<80x128xf32, #tpu.memory_space<vmem_shared>>
        %dma_wait3A_163 = arith.constant 0 : i32
        %dma_wait3A_164 = tpu.memref_slice %arg11[%mul3A_156, %dma_wait3A_163] : memref<10000x128xf32, #tpu.memory_space<vmem_shared>> -> memref<80x128xf32, #tpu.memory_space<vmem_shared>>
        tpu.wait_dma2 semaphore(%run_scoped3A : memref<!tpu.dma_semaphore, #tpu.memory_space<semaphore_mem>>) src(%dma_wait3A_164 : memref<80x128xf32, #tpu.memory_space<vmem_shared>>) dst(%arg9 : memref<80x128xf32, #tpu.memory_space<vmem>>)
        tpu.yield
      }) : () -> ()
      %mul3A_157 = arith.constant 80 : i32
      %mul3A_158 = arith.muli %add3A_140, %mul3A_157 : i32
      "tpu.region"() ({
        %run_scoped3A = tpu.sem_alloc : memref<!tpu.dma_semaphore, #tpu.memory_space<semaphore_mem>>
        %dma_start3A = arith.constant 0 : i32
        %dma_start3A_159 = tpu.memref_slice %arg6[%arg0, %mul3A_158, %dma_start3A] : memref<2x10000x128xf32, #tpu.memory_space<hbm>> -> memref<1x80x128xf32, #tpu.memory_space<hbm>>
        %dma_start3A_160 = tpu.memref_squeeze %dma_start3A_159 : memref<1x80x128xf32, #tpu.memory_space<hbm>> -> memref<80x128xf32, #tpu.memory_space<hbm>>
        %dma_start3A_161 = arith.constant 0 : i32
        %dma_start3A_162 = tpu.memref_slice %arg6[%arg0, %mul3A_158, %dma_start3A_161] : memref<2x10000x128xf32, #tpu.memory_space<hbm>> -> memref<1x80x128xf32, #tpu.memory_space<hbm>>
        %dma_start3A_163 = tpu.memref_squeeze %dma_start3A_162 : memref<1x80x128xf32, #tpu.memory_space<hbm>> -> memref<80x128xf32, #tpu.memory_space<hbm>>
        tpu.enqueue_dma source(%arg9 : memref<80x128xf32, #tpu.memory_space<vmem>>) target(%dma_start3A_163 : memref<80x128xf32, #tpu.memory_space<hbm>>) target_semaphore(%run_scoped3A : memref<!tpu.dma_semaphore, #tpu.memory_space<semaphore_mem>>)
        %dma_wait3A = arith.constant 0 : i32
        %dma_wait3A_164 = tpu.memref_slice %arg6[%arg0, %mul3A_158, %dma_wait3A] : memref<2x10000x128xf32, #tpu.memory_space<hbm>> -> memref<1x80x128xf32, #tpu.memory_space<hbm>>
        %dma_wait3A_165 = tpu.memref_squeeze %dma_wait3A_164 : memref<1x80x128xf32, #tpu.memory_space<hbm>> -> memref<80x128xf32, #tpu.memory_space<hbm>>
        %dma_wait3A_166 = arith.constant 0 : i32
        %dma_wait3A_167 = tpu.memref_slice %arg6[%arg0, %mul3A_158, %dma_wait3A_166] : memref<2x10000x128xf32, #tpu.memory_space<hbm>> -> memref<1x80x128xf32, #tpu.memory_space<hbm>>
        %dma_wait3A_168 = tpu.memref_squeeze %dma_wait3A_167 : memref<1x80x128xf32, #tpu.memory_space<hbm>> -> memref<80x128xf32, #tpu.memory_space<hbm>>
        tpu.wait_dma2 semaphore(%run_scoped3A : memref<!tpu.dma_semaphore, #tpu.memory_space<semaphore_mem>>) src(%arg9 : memref<80x128xf32, #tpu.memory_space<vmem>>) dst(%dma_wait3A_168 : memref<80x128xf32, #tpu.memory_space<hbm>>)
        tpu.yield
      }) : () -> ()
    } else {
    }
    %mul3A_146 = arith.constant 8 : i32
    %mul3A_147 = arith.muli %arg1, %mul3A_146 : i32
    %add3A_148 = arith.constant 7 : i32
    %add3A_149 = arith.addi %mul3A_147, %add3A_148 : i32
    %lt3A_150 = arith.constant 125 : i32
    %lt3A_151 = arith.cmpi slt, %add3A_149, %lt3A_150 : i32
    %convert_element_type3A_152 = arith.extui %lt3A_151 : i1 to i32
    %cond3A_153 = arith.constant 0 : i32
    %cond3A_154 = arith.cmpi ne, %convert_element_type3A_152, %cond3A_153 : i32
    scf.if %cond3A_154 {
      %mul3A_155 = arith.constant 80 : i32
      %mul3A_156 = arith.muli %add3A_149, %mul3A_155 : i32
      "tpu.region"() ({
        %run_scoped3A = tpu.sem_alloc : memref<!tpu.dma_semaphore, #tpu.memory_space<semaphore_mem>>
        %dma_start3A = arith.constant 0 : i32
        %dma_start3A_159 = tpu.memref_slice %arg11[%mul3A_156, %dma_start3A] : memref<10000x128xf32, #tpu.memory_space<vmem_shared>> -> memref<80x128xf32, #tpu.memory_space<vmem_shared>>
        %dma_start3A_160 = arith.constant 0 : i32
        %dma_start3A_161 = tpu.memref_slice %arg11[%mul3A_156, %dma_start3A_160] : memref<10000x128xf32, #tpu.memory_space<vmem_shared>> -> memref<80x128xf32, #tpu.memory_space<vmem_shared>>
        tpu.enqueue_dma source(%dma_start3A_161 : memref<80x128xf32, #tpu.memory_space<vmem_shared>>) target(%arg9 : memref<80x128xf32, #tpu.memory_space<vmem>>) target_semaphore(%run_scoped3A : memref<!tpu.dma_semaphore, #tpu.memory_space<semaphore_mem>>)
        %dma_wait3A = arith.constant 0 : i32
        %dma_wait3A_162 = tpu.memref_slice %arg11[%mul3A_156, %dma_wait3A] : memref<10000x128xf32, #tpu.memory_space<vmem_shared>> -> memref<80x128xf32, #tpu.memory_space<vmem_shared>>
        %dma_wait3A_163 = arith.constant 0 : i32
        %dma_wait3A_164 = tpu.memref_slice %arg11[%mul3A_156, %dma_wait3A_163] : memref<10000x128xf32, #tpu.memory_space<vmem_shared>> -> memref<80x128xf32, #tpu.memory_space<vmem_shared>>
        tpu.wait_dma2 semaphore(%run_scoped3A : memref<!tpu.dma_semaphore, #tpu.memory_space<semaphore_mem>>) src(%dma_wait3A_164 : memref<80x128xf32, #tpu.memory_space<vmem_shared>>) dst(%arg9 : memref<80x128xf32, #tpu.memory_space<vmem>>)
        tpu.yield
      }) : () -> ()
      %mul3A_157 = arith.constant 80 : i32
      %mul3A_158 = arith.muli %add3A_149, %mul3A_157 : i32
      "tpu.region"() ({
        %run_scoped3A = tpu.sem_alloc : memref<!tpu.dma_semaphore, #tpu.memory_space<semaphore_mem>>
        %dma_start3A = arith.constant 0 : i32
        %dma_start3A_159 = tpu.memref_slice %arg6[%arg0, %mul3A_158, %dma_start3A] : memref<2x10000x128xf32, #tpu.memory_space<hbm>> -> memref<1x80x128xf32, #tpu.memory_space<hbm>>
        %dma_start3A_160 = tpu.memref_squeeze %dma_start3A_159 : memref<1x80x128xf32, #tpu.memory_space<hbm>> -> memref<80x128xf32, #tpu.memory_space<hbm>>
        %dma_start3A_161 = arith.constant 0 : i32
        %dma_start3A_162 = tpu.memref_slice %arg6[%arg0, %mul3A_158, %dma_start3A_161] : memref<2x10000x128xf32, #tpu.memory_space<hbm>> -> memref<1x80x128xf32, #tpu.memory_space<hbm>>
        %dma_start3A_163 = tpu.memref_squeeze %dma_start3A_162 : memref<1x80x128xf32, #tpu.memory_space<hbm>> -> memref<80x128xf32, #tpu.memory_space<hbm>>
        tpu.enqueue_dma source(%arg9 : memref<80x128xf32, #tpu.memory_space<vmem>>) target(%dma_start3A_163 : memref<80x128xf32, #tpu.memory_space<hbm>>) target_semaphore(%run_scoped3A : memref<!tpu.dma_semaphore, #tpu.memory_space<semaphore_mem>>)
        %dma_wait3A = arith.constant 0 : i32
        %dma_wait3A_164 = tpu.memref_slice %arg6[%arg0, %mul3A_158, %dma_wait3A] : memref<2x10000x128xf32, #tpu.memory_space<hbm>> -> memref<1x80x128xf32, #tpu.memory_space<hbm>>
        %dma_wait3A_165 = tpu.memref_squeeze %dma_wait3A_164 : memref<1x80x128xf32, #tpu.memory_space<hbm>> -> memref<80x128xf32, #tpu.memory_space<hbm>>
        %dma_wait3A_166 = arith.constant 0 : i32
        %dma_wait3A_167 = tpu.memref_slice %arg6[%arg0, %mul3A_158, %dma_wait3A_166] : memref<2x10000x128xf32, #tpu.memory_space<hbm>> -> memref<1x80x128xf32, #tpu.memory_space<hbm>>
        %dma_wait3A_168 = tpu.memref_squeeze %dma_wait3A_167 : memref<1x80x128xf32, #tpu.memory_space<hbm>> -> memref<80x128xf32, #tpu.memory_space<hbm>>
        tpu.wait_dma2 semaphore(%run_scoped3A : memref<!tpu.dma_semaphore, #tpu.memory_space<semaphore_mem>>) src(%arg9 : memref<80x128xf32, #tpu.memory_space<vmem>>) dst(%dma_wait3A_168 : memref<80x128xf32, #tpu.memory_space<hbm>>)
        tpu.yield
      }) : () -> ()
    } else {
    }
    return
  }
}

module attributes {stable_mosaic.version = 14 : i64} {
  func.func @_edge_bias_body(%arg0: i32, %arg1: memref<8000x5xf32, #tpu.memory_space<vmem>>, %arg2: memref<5x128xf32, #tpu.memory_space<vmem>>, %arg3: memref<1x128xf32, #tpu.memory_space<vmem>>, %arg4: memref<8000x128xf32, #tpu.memory_space<vmem>>) attributes {dimension_semantics = [#tpu.dimension_semantics<arbitrary>], iteration_bounds = array<i64: 40>, scalar_prefetch = 0 : i64, scratch_operands = 0 : i64, tpu.core_type = #tpu.core_type<tc>, window_params = [{transform_indices = @transform_0, window_bounds = array<i64: 8000, 5>}, {pipeline_mode = #tpu.pipeline_mode<synchronous>, transform_indices = @transform_1, window_bounds = array<i64: 5, 128>}, {pipeline_mode = #tpu.pipeline_mode<synchronous>, transform_indices = @transform_2, window_bounds = array<i64: 1, 128>}, {transform_indices = @transform_3, window_bounds = array<i64: 8000, 128>}]} {
    %get3A = arith.constant 0 : index
    %get3A_0 = arith.constant 0 : index
    %get3A_1 = vector.load %arg1[%get3A, %get3A_0] : memref<8000x5xf32, #tpu.memory_space<vmem>>, vector<8000x5xf32>
    %get3A_2 = arith.constant 0 : index
    %get3A_3 = arith.constant 0 : index
    %get3A_4 = vector.load %arg2[%get3A_2, %get3A_3] : memref<5x128xf32, #tpu.memory_space<vmem>>, vector<5x128xf32>
    %dot_general3A = arith.constant dense<0.000000e+00> : vector<8000x128xf32>
    %dot_general3A_5 = tpu.matmul %get3A_1, %get3A_4, %dot_general3A {dimension_numbers = #tpu.dot_dimension_numbers<[1], [0], [0], [1], [0, 0, 1, 1], [], []>, transpose_lhs_hint = false} : vector<8000x5xf32>, vector<5x128xf32>, vector<8000x128xf32> -> vector<8000x128xf32>
    %get3A_6 = arith.constant 0 : index
    %get3A_7 = arith.constant 0 : index
    %get3A_8 = vector.load %arg3[%get3A_6, %get3A_7] : memref<1x128xf32, #tpu.memory_space<vmem>>, vector<1x128xf32>
    %add3A = vector.broadcast %get3A_8 : vector<1x128xf32> to vector<8000x128xf32>
    %add3A_9 = arith.addf %dot_general3A_5, %add3A : vector<8000x128xf32>
    %swap3A = arith.constant 0 : index
    %swap3A_10 = arith.constant 0 : index
    %swap3A_11 = vector.load %arg4[%swap3A, %swap3A_10] : memref<8000x128xf32, #tpu.memory_space<vmem>>, vector<8000x128xf32>
    tpu.vector_store %arg4[%swap3A, %swap3A_10], %add3A_9 {strides = array<i32>} : memref<8000x128xf32, #tpu.memory_space<vmem>>, vector<8000x128xf32>,
    return
  }
  func.func @transform_0(%arg0: i32) -> (i32, i32) {
    %c0_i32 = arith.constant 0 : i32
    %c0_i32_0 = arith.constant 0 : i32
    return %arg0, %c0_i32 : i32, i32
  }
  func.func @transform_1(%arg0: i32) -> (i32, i32) {
    %c0_i32 = arith.constant 0 : i32
    %c0_i32_0 = arith.constant 0 : i32
    %c0_i32_1 = arith.constant 0 : i32
    return %c0_i32, %c0_i32_0 : i32, i32
  }
  func.func @transform_2(%arg0: i32) -> (i32, i32) {
    %c0_i32 = arith.constant 0 : i32
    %c0_i32_0 = arith.constant 0 : i32
    %c0_i32_1 = arith.constant 0 : i32
    return %c0_i32, %c0_i32_0 : i32, i32
  }
  func.func @transform_3(%arg0: i32) -> (i32, i32) {
    %c0_i32 = arith.constant 0 : i32
    %c0_i32_0 = arith.constant 0 : i32
    return %arg0, %c0_i32 : i32, i32
  }
}

module attributes {stable_mosaic.version = 14 : i64} {
  func.func @_node_mm_body(%arg0: memref<10000x21xf32, #tpu.memory_space<vmem>>, %arg1: memref<10000x38xf32, #tpu.memory_space<vmem>>, %arg2: memref<10000x3xf32, #tpu.memory_space<vmem>>, %arg3: memref<10000x80xf32, #tpu.memory_space<vmem>>, %arg4: memref<21x128xf32, #tpu.memory_space<vmem>>, %arg5: memref<38x128xf32, #tpu.memory_space<vmem>>, %arg6: memref<3x128xf32, #tpu.memory_space<vmem>>, %arg7: memref<80x128xf32, #tpu.memory_space<vmem>>, %arg8: memref<21x128xf32, #tpu.memory_space<vmem>>, %arg9: memref<38x128xf32, #tpu.memory_space<vmem>>, %arg10: memref<3x128xf32, #tpu.memory_space<vmem>>, %arg11: memref<80x128xf32, #tpu.memory_space<vmem>>, %arg12: memref<1x128xf32, #tpu.memory_space<vmem>>, %arg13: memref<10000x128xf32, #tpu.memory_space<vmem>>, %arg14: memref<10000x128xf32, #tpu.memory_space<vmem>>) attributes {dimension_semantics = [], scalar_prefetch = 0 : i64, scratch_operands = 0 : i64, tpu.core_type = #tpu.core_type<tc>} {
    %get3A = arith.constant 0 : index
    %get3A_0 = arith.constant 0 : index
    %get3A_1 = vector.load %arg0[%get3A, %get3A_0] : memref<10000x21xf32, #tpu.memory_space<vmem>>, vector<10000x21xf32>
    %get3A_2 = arith.constant 0 : index
    %get3A_3 = arith.constant 0 : index
    %get3A_4 = vector.load %arg1[%get3A_2, %get3A_3] : memref<10000x38xf32, #tpu.memory_space<vmem>>, vector<10000x38xf32>
    %get3A_5 = arith.constant 0 : index
    %get3A_6 = arith.constant 0 : index
    %get3A_7 = vector.load %arg2[%get3A_5, %get3A_6] : memref<10000x3xf32, #tpu.memory_space<vmem>>, vector<10000x3xf32>
    %get3A_8 = arith.constant 0 : index
    %get3A_9 = arith.constant 0 : index
    %get3A_10 = vector.load %arg3[%get3A_8, %get3A_9] : memref<10000x80xf32, #tpu.memory_space<vmem>>, vector<10000x80xf32>
    %get3A_11 = arith.constant 0 : index
    %get3A_12 = arith.constant 0 : index
    %get3A_13 = vector.load %arg4[%get3A_11, %get3A_12] : memref<21x128xf32, #tpu.memory_space<vmem>>, vector<21x128xf32>
    %dot_general3A = arith.constant dense<0.000000e+00> : vector<10000x128xf32>
    %dot_general3A_14 = tpu.matmul %get3A_1, %get3A_13, %dot_general3A {dimension_numbers = #tpu.dot_dimension_numbers<[1], [0], [0], [1], [0, 0, 1, 1], [], []>, transpose_lhs_hint = false} : vector<10000x21xf32>, vector<21x128xf32>, vector<10000x128xf32> -> vector<10000x128xf32>
    %get3A_15 = arith.constant 0 : index
    %get3A_16 = arith.constant 0 : index
    %get3A_17 = vector.load %arg5[%get3A_15, %get3A_16] : memref<38x128xf32, #tpu.memory_space<vmem>>, vector<38x128xf32>
    %dot_general3A_18 = arith.constant dense<0.000000e+00> : vector<10000x128xf32>
    %dot_general3A_19 = tpu.matmul %get3A_4, %get3A_17, %dot_general3A_18 {dimension_numbers = #tpu.dot_dimension_numbers<[1], [0], [0], [1], [0, 0, 1, 1], [], []>, transpose_lhs_hint = false} : vector<10000x38xf32>, vector<38x128xf32>, vector<10000x128xf32> -> vector<10000x128xf32>
    %add3A = arith.addf %dot_general3A_14, %dot_general3A_19 : vector<10000x128xf32>
    %get3A_20 = arith.constant 0 : index
    %get3A_21 = arith.constant 0 : index
    %get3A_22 = vector.load %arg6[%get3A_20, %get3A_21] : memref<3x128xf32, #tpu.memory_space<vmem>>, vector<3x128xf32>
    %dot_general3A_23 = arith.constant dense<0.000000e+00> : vector<10000x128xf32>
    %dot_general3A_24 = tpu.matmul %get3A_7, %get3A_22, %dot_general3A_23 {dimension_numbers = #tpu.dot_dimension_numbers<[1], [0], [0], [1], [0, 0, 1, 1], [], []>, transpose_lhs_hint = false} : vector<10000x3xf32>, vector<3x128xf32>, vector<10000x128xf32> -> vector<10000x128xf32>
    %add3A_25 = arith.addf %add3A, %dot_general3A_24 : vector<10000x128xf32>
    %get3A_26 = arith.constant 0 : index
    %get3A_27 = arith.constant 0 : index
    %get3A_28 = vector.load %arg7[%get3A_26, %get3A_27] : memref<80x128xf32, #tpu.memory_space<vmem>>, vector<80x128xf32>
    %dot_general3A_29 = arith.constant dense<0.000000e+00> : vector<10000x128xf32>
    %dot_general3A_30 = tpu.matmul %get3A_10, %get3A_28, %dot_general3A_29 {dimension_numbers = #tpu.dot_dimension_numbers<[1], [0], [0], [1], [0, 0, 1, 1], [], []>, transpose_lhs_hint = false} : vector<10000x80xf32>, vector<80x128xf32>, vector<10000x128xf32> -> vector<10000x128xf32>
    %add3A_31 = arith.addf %add3A_25, %dot_general3A_30 : vector<10000x128xf32>
    %swap3A = arith.constant 0 : index
    %swap3A_32 = arith.constant 0 : index
    %swap3A_33 = vector.load %arg13[%swap3A, %swap3A_32] : memref<10000x128xf32, #tpu.memory_space<vmem>>, vector<10000x128xf32>
    tpu.vector_store %arg13[%swap3A, %swap3A_32], %add3A_31 {strides = array<i32>} : memref<10000x128xf32, #tpu.memory_space<vmem>>, vector<10000x128xf32>,
    %get3A_34 = arith.constant 0 : index
    %get3A_35 = arith.constant 0 : index
    %get3A_36 = vector.load %arg8[%get3A_34, %get3A_35] : memref<21x128xf32, #tpu.memory_space<vmem>>, vector<21x128xf32>
    %dot_general3A_37 = arith.constant dense<0.000000e+00> : vector<10000x128xf32>
    %dot_general3A_38 = tpu.matmul %get3A_1, %get3A_36, %dot_general3A_37 {dimension_numbers = #tpu.dot_dimension_numbers<[1], [0], [0], [1], [0, 0, 1, 1], [], []>, transpose_lhs_hint = false} : vector<10000x21xf32>, vector<21x128xf32>, vector<10000x128xf32> -> vector<10000x128xf32>
    %get3A_39 = arith.constant 0 : index
    %get3A_40 = arith.constant 0 : index
    %get3A_41 = vector.load %arg9[%get3A_39, %get3A_40] : memref<38x128xf32, #tpu.memory_space<vmem>>, vector<38x128xf32>
    %dot_general3A_42 = arith.constant dense<0.000000e+00> : vector<10000x128xf32>
    %dot_general3A_43 = tpu.matmul %get3A_4, %get3A_41, %dot_general3A_42 {dimension_numbers = #tpu.dot_dimension_numbers<[1], [0], [0], [1], [0, 0, 1, 1], [], []>, transpose_lhs_hint = false} : vector<10000x38xf32>, vector<38x128xf32>, vector<10000x128xf32> -> vector<10000x128xf32>
    %add3A_44 = arith.addf %dot_general3A_38, %dot_general3A_43 : vector<10000x128xf32>
    %get3A_45 = arith.constant 0 : index
    %get3A_46 = arith.constant 0 : index
    %get3A_47 = vector.load %arg10[%get3A_45, %get3A_46] : memref<3x128xf32, #tpu.memory_space<vmem>>, vector<3x128xf32>
    %dot_general3A_48 = arith.constant dense<0.000000e+00> : vector<10000x128xf32>
    %dot_general3A_49 = tpu.matmul %get3A_7, %get3A_47, %dot_general3A_48 {dimension_numbers = #tpu.dot_dimension_numbers<[1], [0], [0], [1], [0, 0, 1, 1], [], []>, transpose_lhs_hint = false} : vector<10000x3xf32>, vector<3x128xf32>, vector<10000x128xf32> -> vector<10000x128xf32>
    %add3A_50 = arith.addf %add3A_44, %dot_general3A_49 : vector<10000x128xf32>
    %get3A_51 = arith.constant 0 : index
    %get3A_52 = arith.constant 0 : index
    %get3A_53 = vector.load %arg11[%get3A_51, %get3A_52] : memref<80x128xf32, #tpu.memory_space<vmem>>, vector<80x128xf32>
    %dot_general3A_54 = arith.constant dense<0.000000e+00> : vector<10000x128xf32>
    %dot_general3A_55 = tpu.matmul %get3A_10, %get3A_53, %dot_general3A_54 {dimension_numbers = #tpu.dot_dimension_numbers<[1], [0], [0], [1], [0, 0, 1, 1], [], []>, transpose_lhs_hint = false} : vector<10000x80xf32>, vector<80x128xf32>, vector<10000x128xf32> -> vector<10000x128xf32>
    %add3A_56 = arith.addf %add3A_50, %dot_general3A_55 : vector<10000x128xf32>
    %get3A_57 = arith.constant 0 : index
    %get3A_58 = arith.constant 0 : index
    %get3A_59 = vector.load %arg12[%get3A_57, %get3A_58] : memref<1x128xf32, #tpu.memory_space<vmem>>, vector<1x128xf32>
    %add3A_60 = vector.broadcast %get3A_59 : vector<1x128xf32> to vector<10000x128xf32>
    %add3A_61 = arith.addf %add3A_56, %add3A_60 : vector<10000x128xf32>
    %swap3A_62 = arith.constant 0 : index
    %swap3A_63 = arith.constant 0 : index
    %swap3A_64 = vector.load %arg14[%swap3A_62, %swap3A_63] : memref<10000x128xf32, #tpu.memory_space<vmem>>, vector<10000x128xf32>
    tpu.vector_store %arg14[%swap3A_62, %swap3A_63], %add3A_61 {strides = array<i32>} : memref<10000x128xf32, #tpu.memory_space<vmem>>, vector<10000x128xf32>,
    return
  }
}

module attributes {stable_mosaic.version = 14 : i64} {
  func.func @_head_body(%arg0: memref<10000x128xf32, #tpu.memory_space<vmem>>, %arg1: memref<2x10000x128xf32, #tpu.memory_space<vmem>>, %arg2: memref<128x1xf32, #tpu.memory_space<vmem>>, %arg3: memref<1x1xf32, #tpu.memory_space<vmem>>, %arg4: memref<10000x1xf32, #tpu.memory_space<vmem>>) attributes {dimension_semantics = [], scalar_prefetch = 0 : i64, scratch_operands = 0 : i64, tpu.core_type = #tpu.core_type<tc>} {
    %get3A = arith.constant 0 : index
    %get3A_0 = arith.constant 0 : index
    %get3A_1 = vector.load %arg0[%get3A, %get3A_0] : memref<10000x128xf32, #tpu.memory_space<vmem>>, vector<10000x128xf32>
    %get3A_2 = arith.constant 0 : index
    %get3A_3 = arith.constant 0 : index
    %get3A_4 = arith.constant 0 : index
    %get3A_5 = vector.load %arg1[%get3A_2, %get3A_3, %get3A_4] : memref<2x10000x128xf32, #tpu.memory_space<vmem>>, vector<1x10000x128xf32>
    %get3A_6 = vector.shape_cast %get3A_5 : vector<1x10000x128xf32> to vector<10000x128xf32>
    %add3A = arith.addf %get3A_1, %get3A_6 : vector<10000x128xf32>
    %get3A_7 = arith.constant 1 : index
    %get3A_8 = arith.constant 0 : index
    %get3A_9 = arith.constant 0 : index
    %get3A_10 = vector.load %arg1[%get3A_7, %get3A_8, %get3A_9] : memref<2x10000x128xf32, #tpu.memory_space<vmem>>, vector<1x10000x128xf32>
    %get3A_11 = vector.shape_cast %get3A_10 : vector<1x10000x128xf32> to vector<10000x128xf32>
    %add3A_12 = arith.addf %add3A, %get3A_11 : vector<10000x128xf32>
    %max3A = arith.constant 0.000000e+00 : f32
    %max3A_13 = vector.broadcast %max3A : f32 to vector<10000x128xf32>
    %max3A_14 = arith.maximumf %add3A_12, %max3A_13 : vector<10000x128xf32>
    %get3A_15 = arith.constant 0 : index
    %get3A_16 = arith.constant 0 : index
    %get3A_17 = vector.load %arg2[%get3A_15, %get3A_16] : memref<128x1xf32, #tpu.memory_space<vmem>>, vector<128x1xf32>
    %dot_general3A = arith.constant dense<0.000000e+00> : vector<10000x1xf32>
    %dot_general3A_18 = tpu.matmul %max3A_14, %get3A_17, %dot_general3A {dimension_numbers = #tpu.dot_dimension_numbers<[1], [0], [0], [1], [0, 0, 1, 1], [], []>, transpose_lhs_hint = false} : vector<10000x128xf32>, vector<128x1xf32>, vector<10000x1xf32> -> vector<10000x1xf32>
    %get3A_19 = arith.constant 0 : index
    %get3A_20 = arith.constant 0 : index
    %get3A_21 = vector.load %arg3[%get3A_19, %get3A_20] : memref<1x1xf32, #tpu.memory_space<vmem>>, vector<1x1xf32>
    %add3A_22 = vector.broadcast %get3A_21 : vector<1x1xf32> to vector<10000x1xf32>
    %add3A_23 = arith.addf %dot_general3A_18, %add3A_22 : vector<10000x1xf32>
    %logistic3A = arith.negf %add3A_23 : vector<10000x1xf32>
    %logistic3A_24 = math.exp %logistic3A : vector<10000x1xf32>
    %logistic3A_25 = arith.constant 1.000000e+00 : f32
    %logistic3A_26 = vector.broadcast %logistic3A_25 : f32 to vector<10000x1xf32>
    %logistic3A_27 = arith.addf %logistic3A_26, %logistic3A_24 : vector<10000x1xf32>
    %logistic3A_28 = arith.divf %logistic3A_26, %logistic3A_27 : vector<10000x1xf32>
    %swap3A = arith.constant 0 : index
    %swap3A_29 = arith.constant 0 : index
    %swap3A_30 = vector.load %arg4[%swap3A, %swap3A_29] : memref<10000x1xf32, #tpu.memory_space<vmem>>, vector<10000x1xf32>
    tpu.vector_store %arg4[%swap3A, %swap3A_29], %logistic3A_28 {strides = array<i32>} : memref<10000x1xf32, #tpu.memory_space<vmem>>, vector<10000x1xf32>,
    return
  }
}

</mosaic_0001>

<sc_bundles>
// kernel: kernel.6.cloned.1.call-start
scs
__scs_entry_jumppad:
0x0: {  	(pc) =	sbr.rel $0x88, $3  }
0x1: {  	(tag) =	ssettag $0x0;
	lr =	simm.s32 $0x1  }
0x2: {  	[smem:$0x3F94] =	sst lr;
	_ =	strace $0xD0000000  }
0x3: {  	_ = 	snop  }
0x4: {  	_ = 	snop  }
0x5: {  	_ = 	snop  }
0x6: {  	_ = 	snop  }
0x7: {  	_ = 	snop  }
__scs_overlays_trampoline_lowered:
0x8: {  	[smem:$0x3FA3] =	sst s0  }
0x9: {  	[smem:$0x3FA4] =	sst s1  }
0xa: {  	[smem:$0x3FA5] =	sst s2  }
0xb: {  	[smem:$0x3FA6] =	sst s3  }
0xc: {  	[smem:$0x3FA7] =	sst s4  }
0xd: {  	[smem:$0x3FA8] =	sst s5  }
0xe: {  	[smem:$0x3FA9] =	sst s6  }
0xf: {  	[smem:$0x3FAA] =	sst s7  }
0x10: {  	[smem:$0x3FAB] =	sst s8  }
0x11: {  	[smem:$0x3FAC] =	sst s9;
	s0 =	simm.s32 @!p0 $0x0  }
0x12: {  	s1 =	sld [smem:$0x3F92];
	s0 =	simm.s32 @p0 $0x1  }
0x13: {  	[smem:$0x3FAD] =	sst s0;
	s0 =	simm.s32 @!p1 $0x0  }
0x14: {  	s2 =	sld [smem:$0x3F91];
	s0 =	simm.s32 @p1 $0x1  }
0x15: {  	[smem:$0x3FAE] =	sst s0;
	s0 =	simm.s32 @!p2 $0x0  }
0x16: {  	s3 =	sld [smem:$0x3FDB];
	s0 =	simm.s32 @p2 $0x1  }
0x17: {  	s4 =	simm.s32 $0x1BF5;
	[smem:$0x3FB0] =	sst s0  }
0x18: {  	s0 =	sld [smem:$0x3F93];
	_ =	swait.ge [sflag:s4], $0x0  }
0x19: {  	s7 =	sld [smem:$0x3F94]  }
0x1a: {  	s8 =	sadd.s32 $0xFFFFE003, lr  }
0x1b: {  	s9 =	sadd.s32 $0xFFFFFEF7, lr;
	s5 =	simm.s32 $0xFFFFFFFF;
	p2 =	slt.u32 s8, $0xFFFFF086  }
0x1c: {  	p1 =	slt.u32 s9, $0xF7A;
	s5 =	simm.s32 @!p2 $0x0  }
0x1d: {  	s5 =	simm.s32 @p1 $0x1;
	p0 =	seq.s32 s7, s2  }
0x1e: {  	s7 =	smul.u32 @!p0 $0xF7A, s2;
	p2 =	seq.s32 @!p0 s5, $0x0  }
0x1f: {  	s9 =	smul.u32 $0xF7A, s1;
	s8 =	simm.s32 @!p0 $0x1BF5;
	p2 =	por !p2, p0  }
0x20: {  	[sflag:s8] =	ssyncset.s32 @!p0 $0xFFFFF086;
	s6 =	sadd.s32 @!p0 s3, s7;
	s7 =	simm.s32 @!p0 $0x108  }
0x21: {  	s3 =	sadd.s32 s3, s9;
	s6 =	sadd.s32 @!p0 $0x88, s6;
	s7 =	simm.s32 @p2 $0x1082  }
0x22: {  	[simem:s7], [sflag:s8] =	dma.local @!p0 [hbm:s6], $0xF7A  }
0x23: {  	s9 =	sor.u32 $0xD0000000, s2;
	s6 =	simm.s32 $0x108;
	_ =	swait.ge @!p0 [sflag:s8], $0x0  }
0x24: {  	s3 =	sadd.s32 $0x88, s3;
	s6 =	simm.s32 @!p1 $0x1082;
	[sflag:s4] =	ssyncset.s32 $0xFFFFF086  }
0x25: {  	[simem:s6], [sflag:s4] =	dma.local [hbm:s3], $0xF7A  }
0x26: {  	[smem:$0x3F94] =	sst s1;
	(tag) =	ssettag s2;
	_ =	strace s9  }
0x27: {  	s1 =	sld [smem:$0x3FA4]  }
0x28: {  	s2 =	sld [smem:$0x3FA5]  }
0x29: {  	s4 =	sld [smem:$0x3FA7]  }
0x2a: {  	p0 =	seq.s32 s5, $0x0;
	s5 =	sld [smem:$0x3FA8]  }
0x2b: {  	s6 =	sld [smem:$0x3FA9]  }
0x2c: {  	s7 =	sld [smem:$0x3FAA]  }
0x2d: {  	s3 =	simm.s32 $0x108;
	s8 =	sld [smem:$0x3FAB]  }
0x2e: {  	s3 =	simm.s32 @!p0 $0x1082;
	s9 =	sld [smem:$0x3FAC]  }
0x2f: {  	lr =	sadd.s32 s0, s3;
	s0 =	sld [smem:$0x3FA3]  }
0x30: {  	s3 =	sld [smem:$0x3FA6]  }
0x31: {  	[smem:$0x3FAF] =	sst s10  }
0x32: {  	s10 =	sld [smem:$0x3FAD];
	_ =	sdelay $0x3  }
0x33: {  	p0 =	seq.s32 s10, $0x1;
	s10 =	sld [smem:$0x3FAF];
	_ =	sdelay $0x3  }
0x34: {  	[smem:$0x3FAF] =	sst s10  }
0x35: {  	s10 =	sld [smem:$0x3FAE];
	_ =	sdelay $0x3  }
0x36: {  	p1 =	seq.s32 s10, $0x1;
	s10 =	sld [smem:$0x3FAF];
	_ =	sdelay $0x3  }
0x37: {  	[smem:$0x3FAF] =	sst s10  }
0x38: {  	s10 =	sld [smem:$0x3FB0]  }
0x39: {  	_ = 	snop;
	(pc) =	sbr.ind lr, $3  }
0x3a: {  	_ = 	snop  }
0x3b: {  	_ = 	snop  }
0x3c: {  	p2 =	seq.s32 s10, $0x1;
	s10 =	sld [smem:$0x3FAF]  }
0x3d: {  	_ =	shalt  }
0x3e: {  	_ =	shalt  }
0x3f: {  	_ =	shalt  }
0x40: {  	_ =	shalt  }
0x41: {  	_ =	shalt  }
0x42: {  	_ =	shalt  }
0x43: {  	_ =	shalt  }
0x44: {  	_ =	shalt  }
0x45: {  	_ =	shalt  }
0x46: {  	_ =	shalt  }
0x47: {  	_ =	shalt  }
0x48: {  	_ =	shalt  }
0x49: {  	_ =	shalt  }
0x4a: {  	_ =	shalt  }
0x4b: {  	_ =	shalt  }
0x4c: {  	_ =	shalt  }
0x4d: {  	_ =	shalt  }
0x4e: {  	_ =	shalt  }
0x4f: {  	_ =	shalt  }
0x50: {  	_ =	shalt  }
0x51: {  	_ =	shalt  }
0x52: {  	_ =	shalt  }
0x53: {  	_ =	shalt  }
0x54: {  	_ =	shalt  }
0x55: {  	_ =	shalt  }
0x56: {  	_ =	shalt  }
0x57: {  	_ =	shalt  }
0x58: {  	_ =	shalt  }
0x59: {  	_ =	shalt  }
0x5a: {  	_ =	shalt  }
0x5b: {  	_ =	shalt  }
0x5c: {  	_ =	shalt  }
0x5d: {  	_ =	shalt  }
0x5e: {  	_ =	shalt  }
0x5f: {  	_ =	shalt  }
0x60: {  	_ =	shalt  }
0x61: {  	_ =	shalt  }
0x62: {  	_ =	shalt  }
0x63: {  	_ =	shalt  }
0x64: {  	_ =	shalt  }
0x65: {  	_ =	shalt  }
0x66: {  	_ =	shalt  }
0x67: {  	_ =	shalt  }
0x68: {  	_ =	shalt  }
0x69: {  	_ =	shalt  }
0x6a: {  	_ =	shalt  }
0x6b: {  	_ =	shalt  }
0x6c: {  	_ =	shalt  }
0x6d: {  	_ =	shalt  }
0x6e: {  	_ =	shalt  }
0x6f: {  	_ =	shalt  }
0x70: {  	_ =	shalt  }
0x71: {  	_ =	shalt  }
0x72: {  	_ =	shalt  }
0x73: {  	_ =	shalt  }
0x74: {  	_ =	shalt  }
0x75: {  	_ =	shalt  }
0x76: {  	_ =	shalt  }
0x77: {  	_ =	shalt  }
0x78: {  	_ =	shalt  }
0x79: {  	_ =	shalt  }
0x7a: {  	_ =	shalt  }
0x7b: {  	_ =	shalt  }
0x7c: {  	_ =	shalt  }
0x7d: {  	_ =	shalt  }
0x7e: {  	_ =	shalt  }
0x7f: {  	_ =	shalt  }
0x80: {  	_ =	shalt  }
0x81: {  	_ =	shalt  }
0x82: {  	_ =	shalt  }
0x83: {  	_ =	shalt  }
0x84: {  	_ =	shalt  }
0x85: {  	_ =	shalt  }
0x86: {  	_ =	shalt  }
0x87: {  	_ =	shalt  }
.Lfunc_end0:
.L_simem_size_0:
called_computation_lowered:
.L_overlay_start_0:
0x88: {  	s2 =	sld [smem:$0x3FD9]  }
0x89: {  	s3 =	sld [smem:$0x3FFE];
	_ =	sdelay $0x1  }
0x8a: {  	s1 =	srdreg.scid  }
0x8b: {  	s0 =	sand.u32 $0x1, s1  }
0x8c: {  	s16 =	sshll.u32 s0, $0xA;
	s2 =	sadd.s32 s3, s2  }
0x8d: {  	s2 =	sadd.s32 s2, s16  }
0x8e: {  	[smem:$0x3FBB] =	sst s2  }
0x8f: {  	_ = 	snop  }
0x90: {  	(tm) =	ssettm $0x1  }
0x91: {  	s17 =	sld [smem:$0x3FFB];
	_ =	sdelay $0x3  }
0x92: {  	_ =	strace s17  }
0x93: {  	s2 =	sld [smem:$0x3FFC];
	_ =	sdelay $0x3  }
0x94: {  	_ =	strace s2  }
0x95: {  	s2 =	sld [smem:$0x3FFD];
	_ =	sdelay $0x3  }
0x96: {  	_ =	strace s2  }
0x97: {  	_ =	strace $0x8FFFFFFF  }
0x98: {  	s18 =	sld [smem:$0x3FDB];
	_ =	sdelay $0x1  }
0x99: {  	s19 =	simm.s32 $_scs_section_size  }
0x9a: {  	s4 =	simm.s32 $_size__tile_overlayer_lowered;
	s5 =	simm.s32 $_tile_overlayer_lowered  }
0x9b: {  	s22 =	simm.s32 $0x1BFF;
	s21 =	sshll.u32 s5, $0x1;
	s2 =	sadd.s32 s19, s18  }
0x9c: {  	s6 =	simm.s32 $0x0;
	s20 =	sshll.u32 s4, $0x1;
	s4 =	sadd.s32 s21, s2  }
0x9d: {  	[timem:s6], [sflag:s22] =	dma.local [hbm:s4], s20  }
0x9e: {  	_ =	swait.ge [sflag:s22], s20  }
0x9f: {  	s3 =	ssub.s32 $0x0, s20;
	[sflag:s22] =	ssyncset.done $0x0  }
0xa0: {  	[sflag:s22] =	ssyncadd.s32 s3;
	_ =	sdelay $0x1  }
0xa1: {  	s23 =	simm.s32 $0x1B8B  }
0xa2: {  	_ =	swait.ge [sflag:s23], $0x1  }
0xa3: {  	[sflag:s23] =	ssyncset.done $0x0  }
0xa4: {  	s25 =	simm.s32 $0x1B8E;
	s24 =	sld [smem:$0x3FFE];
	[sflag:s23] =	ssyncadd.s32 $0xFFFFFFFF  }
0xa5: {  	s26 =	simm.s32 $execute0_lowered;
	[smem:$0x3FD2] =	sst s25  }
0xa6: {  	s4 =	sshll.u32 s26, $0x1;
	_ =	strace $0x80000046;
	[dreg:$0x1] =	wrdreg $0xFFFFFFFF  }
0xa7: {  	s28 =	simm.s32 $_size_execute0_lowered;
	s2 =	sadd.s32 s2, s4;
	[dreg:$0x0] =	wrdreg $0x0  }
0xa8: {  	s4 =	sshll.u32 s28, $0x1;
	[dreg:$0x2] =	wrdreg s2  }
0xa9: {  	[dreg:$0x3] =	wrdreg s4  }
0xaa: {  	[dreg:$0x4] =	wrdreg $0xC0  }
0xab: {  	_ =	task [dreg:s6], $0x5FFFF  }
0xac: {  	[dreg:$0x1] =	wrdreg $0xFFFFFFFF  }
0xad: {  	[dreg:$0x0] =	wrdreg $0x60  }
0xae: {  	[dreg:$0x2] =	wrdreg s24  }
0xaf: {  	[dreg:$0x3] =	wrdreg $0x51000  }
0xb0: {  	[dreg:$0x4] =	wrdreg $0x9  }
0xb1: {  	_ =	task.clear_ibuf [dreg:s6], $0x5FFFF;
	_ =	strace $0x90000046  }
0xb2: {  	s29 =	simm.s32 $0x9;
	_ =	strace $0x80000048  }
0xb3: {  	_ =	swait.ge [sflag:s29], $0x1  }
0xb4: {  	[sflag:s29] =	ssyncadd.s32 $0xFFFFFFFF  }
0xb5: {  	_ =	strace $0x90000048  }
0xb6: {  	_ =	sfence  }
0xb7: {  	s30 =	sld [smem:$0x0];
	_ =	sdelay $0x2  }
0xb8: {  	s31 =	sshll.u32 s1, $0xD;
	s1 =	sshrl.u32 s1, $0x2  }
0xb9: {  	s3 =	sand.u32 $0x4000, s31;
	s1 =	sadd.s32 s1, s30  }
0xba: {  	s0 =	sor.u32 s3, s0;
	s1 =	sshll.u32 s1, $0x11  }
0xbb: {  	s0 =	sor.u32 s1, s0  }
0xbc: {  	s0 =	sadd.s32 $0x8F2B, s0  }
0xbd: {  	[sflag:s0] =	ssyncadd.remote.s32 $0x1  }
0xbe: {  	_ =	sfence.sel $0xFFFF  }
0xbf: {  	[dreg:$0x0] =	wrdreg $0xFFFFFFFF;
	(pc) =	sbr.abs _section_cstart, $3  }
0xc0: {  	[dreg:$0x1] =	wrdreg $0xFFFFFFFF  }
0xc1: {  	_ =	task.clear_ibuf [dreg:s6], $0x2FFFF;
	_ =	strace $0x9FFFFFFF  }
0xc2: {  	(tm) =	ssettm $0x7FFFFFFF  }
0xc3: {  	_ =	shalt  }
tec
execute0_lowered:
.L_overlay_start_1:
0x0: {  	(tag) =	ssettag $0x1  }
0x1: {  	s3 =	rddreg [dreg:$0x0]  }
0x2: {  	s1 =	rddreg [dreg:$0x1];
	s2 =	simm.s32 $0x0  }
0x3: {  	s0 =	srdreg.scid;
	s28 =	stileid.u32;
	s29 =	simm.s32 $0x2  }
0x4: {  	s30 =	simm.s32 $0x80;
	s31 =	simm.s32 $0x2900;
	[smem:$0x7FF] =	sst s2  }
0x5: {  	s4 =	sadd.s32 $0x2C00, s3;
	s6 =	sand.u32 $0x1, s0;
	s5 =	sadd.s32 $0x554000, s3  }
0x6: {  	s7 =	sshll.u32 s28, $0x3;
	s9 =	sadd.s32 $0x51000, s3;
	s11 =	smul.u32 $0x14000, s28  }
0x7: {  	s15 =	sshll.u32 s28, $0x1;
	s21 =	sshllo.u32 s28, $0x3;
	s8 =	smul.u32 $0x138800, s6  }
0x8: {  	p2 =	seq.s32 s28, $0xF;
	s10 =	sor.u32 $0x1, s7;
	s23 =	smul.u32 $0x2800, s21  }
0x9: {  	_ =	strace $0x80000047;
	s16 =	sor.u32 $0x2, s7;
	s12 =	smul.u32 $0x2800, s10  }
0xa: {  	s0 =	ssub.s32 $0x2, s6;
	s17 =	sor.u32 $0x3, s7;
	s14 =	smul.u32 $0x2800, s16  }
0xb: {  	s18 =	sor.u32 $0x4, s7;
	s19 =	sor.u32 $0x5, s7;
	s24 =	smul.u32 $0x2800, s17  }
0xc: {  	s6 =	sor.u32 s6, s15;
	s7 =	sor.u32 $0x6, s7;
	s20 =	smul.u32 $0x2800, s18  }
0xd: {  	p1 =	sgt.u32 s21, $0x7C;
	s13 =	sshrl.u32 s0, $0x1;
	s25 =	smul.u32 $0x2800, s19  }
0xe: {  	s22 =	smul.u32 $0x2800, s7;
	p0 =	sgt.u32 s7, $0x7C;
	s11 =	sadd.s32 s11, s8  }
0xf: {  	s0 =	ssub.s32 s0, s13;
	s11 =	sshrl.u32 s11, $0x3;
	s12 =	sadd.s32 s8, s12  }
0x10: {  	s14 =	sadd.s32 s8, s14;
	s13 =	sadd.s32 s8, s24;
	s20 =	sadd.s32 s8, s20  }
0x11: {  	s15 =	sadd.s32 s8, s25;
	s22 =	sadd.s32 s8, s22;
	s8 =	sadd.s32 s8, s23  }
0x12: {  	s23 =	smul.u32 $0x50000, s28;
	s28 =	simm.s32 $0x100;
	s11 =	sadd.s32 s9, s11  }
0x13: {  	s26 =	sshrl.u32 s12, $0x3;
	s12 =	sshrl.u32 s14, $0x3;
	s13 =	sshrl.u32 s13, $0x3  }
0x14: {  	s24 =	sshrl.u32 s20, $0x3;
	s25 =	sshrl.u32 s15, $0x3;
	s8 =	sshrl.u32 s8, $0x3  }
0x15: {  	s15 =	sadd.s32 $0x544000, s3;
	[dreg:$0x3] =	wrdreg s11;
	s11 =	sadd.s32 s9, s26  }
0x16: {  	s14 =	sadd.s32 s9, s13;
	s26 =	sshrl.u32 s22, $0x3;
	s13 =	sadd.s32 s9, s8  }
0x17: {  	s20 =	sshrl.u32 s23, $0x2;
	s22 =	smul.u32 $0xA000, s16;
	[dreg:$0x4] =	wrdreg s11  }
0x18: {  	s11 =	sadd.s32 s9, s12;
	[dreg:$0x6] =	wrdreg s14;
	s12 =	sadd.s32 s9, s26  }
0x19: {  	s26 =	smul.u32 $0xA000, s18;
	[dreg:$0x5] =	wrdreg s11;
	s11 =	sadd.s32 s9, s24  }
0x1a: {  	s14 =	sadd.s32 $0x534000, s3;
	s24 =	smul.u32 $0xA000, s17;
	[dreg:$0x7] =	wrdreg s11  }
0x1b: {  	s11 =	sadd.s32 s9, s25;
	s25 =	sshrl.u32 s22, $0x2;
	s22 =	smul.u32 $0xA000, s7  }
0x1c: {  	s16 =	sadd.s32 s20, s1;
	[dreg:$0x8] =	wrdreg s11;
	s11 =	smul.u32 $0xA000, s10  }
0x1d: {  	s18 =	sadd.s32 s25, s1;
	s10 =	sshrl.u32 s24, $0x2;
	s24 =	smul.u32 $0xA000, s21  }
0x1e: {  	s3 =	sshrl.u32 s22, $0x2;
	s23 =	sshrl.u32 s11, $0x2;
	s11 =	smul.u32 $0xA000, s19  }
0x1f: {  	s19 =	sadd.s32 s10, s1;
	s22 =	sadd.s32 s3, s1;
	s3 =	simm.s32 $0x1  }
0x20: {  	s17 =	sadd.s32 s23, s1;
	s23 =	sshrl.u32 s26, $0x2;
	s26 =	sshrl.u32 s24, $0x2  }
0x21: {  	s24 =	smul.u32 $0x2710, s6;
	s20 =	sadd.s32 s23, s1;
	s25 =	sshrl.u32 s11, $0x2  }
0x22: {  	s23 =	sadd.s32 s26, s1;
	s26 =	smax.u32 s0, $0x1;
	s0 =	simm.s32 $0x50  }
0x23: {  	v0 =	vimm.f32 $0.0e+00;
	s21 =	sadd.s32 s25, s1;
	s25 =	sshll.u32 s6, $0xB;
	s6 =	simm.s32 $0x0  }
.LBB2_1:
0x24: {  	s7 =	simm.s32 $0x0;
	s8 =	simm.s32 $0x200  }
.LBB2_2:
0x25: {  	p3 =	sne.s32 s8, $0x9E00;
	[tilespmem:s7+$0x170] =	vst v0  }
0x26: {  	[tilespmem:s7+$0x100] =	vst v0  }
0x27: {  	[tilespmem:s7+$0x110] =	vst v0  }
.Ltmp0:
0x28: {  	[tilespmem:s7+$0x120] =	vst v0;
	(pc) =	sbr.rel @p3 .LBB2_2-.Ltmp0, $4  }
0x29: {  	[tilespmem:s7+$0x130] =	vst v0  }
0x2a: {  	[tilespmem:s7+$0x140] =	vst v0  }
0x2b: {  	[tilespmem:s7+$0x150] =	vst v0  }
0x2c: {  	[tilespmem:s7+$0x160] =	vst v0;
	s7 =	sshra.s32 s8, $0x2;
	s8 =	sadd.s32 $0x200, s8  }
0x2d: {  	[tilespmem:s7+$0x170] =	vst v0  }
0x2e: {  	[tilespmem:s7+$0x100] =	vst v0  }
0x2f: {  	[tilespmem:s7+$0x110] =	vst v0  }
0x30: {  	[tilespmem:s7+$0x120] =	vst v0  }
0x31: {  	[tilespmem:s7+$0x130] =	vst v0  }
0x32: {  	[tilespmem:s7+$0x140] =	vst v0  }
0x33: {  	[tilespmem:s7+$0x150] =	vst v0  }
0x34: {  	[tilespmem:s7+$0x160] =	vst v0  }
0x35: {  	[spmem:s16] =	stream.linear.scatter [tilespmem:s28], [sflag:$0x2], $0x2800, $0x38;
	[tilespmem:$0x18980] =	vst v63  }
0x36: {  	_ =	swait.ge [sflag:s29], $0x2800  }
0x37: {  	[sflag:s29] =	ssyncset.done $0x0  }
0x38: {  	[sflag:s29] =	ssyncadd.s32 $0xFFFFD800  }
0x39: {  	[spmem:s17] =	stream.linear.scatter [tilespmem:s28], [sflag:$0x2], $0x2800, $0x38;
	[tilespmem:$0x18980] =	vst v63  }
0x3a: {  	_ =	swait.ge [sflag:s29], $0x2800  }
0x3b: {  	[sflag:s29] =	ssyncset.done $0x0  }
0x3c: {  	[sflag:s29] =	ssyncadd.s32 $0xFFFFD800  }
0x3d: {  	[spmem:s18] =	stream.linear.scatter [tilespmem:s28], [sflag:$0x2], $0x2800, $0x38;
	[tilespmem:$0x18980] =	vst v63  }
0x3e: {  	_ =	swait.ge [sflag:s29], $0x2800  }
0x3f: {  	[sflag:s29] =	ssyncset.done $0x0  }
0x40: {  	[sflag:s29] =	ssyncadd.s32 $0xFFFFD800  }
0x41: {  	[spmem:s19] =	stream.linear.scatter [tilespmem:s28], [sflag:$0x2], $0x2800, $0x38;
	[tilespmem:$0x18980] =	vst v63  }
0x42: {  	_ =	swait.ge [sflag:s29], $0x2800  }
0x43: {  	[sflag:s29] =	ssyncset.done $0x0  }
0x44: {  	[sflag:s29] =	ssyncadd.s32 $0xFFFFD800  }
0x45: {  	[spmem:s20] =	stream.linear.scatter [tilespmem:s28], [sflag:$0x2], $0x2800, $0x38;
	[tilespmem:$0x18980] =	vst v63  }
0x46: {  	_ =	swait.ge [sflag:s29], $0x2800  }
0x47: {  	[sflag:s29] =	ssyncset.done $0x0  }
0x48: {  	s7 =	simm.s32 @!p2 $0x100;
	[sflag:s29] =	ssyncadd.s32 $0xFFFFD800  }
0x49: {  	[spmem:s21] =	stream.linear.scatter @!p2 [tilespmem:s7], [sflag:$0x2], $0x2800, $0x38;
	[tilespmem:$0x18980] =	vst v63  }
0x4a: {  	s7 =	simm.s32 @!p2 $0x2  }
0x4b: {  	_ =	swait.ge @!p2 [sflag:s7], $0x2800  }
0x4c: {  	[sflag:s7] =	ssyncset.done @!p2 $0x0  }
0x4d: {  	[sflag:s7] =	ssyncadd.s32 @!p2 $0xFFFFD800;
	s7 =	simm.s32 @!p0 $0x100  }
0x4e: {  	[spmem:s22] =	stream.linear.scatter @!p0 [tilespmem:s7], [sflag:$0x2], $0x2800, $0x38;
	[tilespmem:$0x18980] =	vst v63  }
0x4f: {  	s7 =	simm.s32 @!p0 $0x2  }
0x50: {  	_ =	swait.ge @!p0 [sflag:s7], $0x2800  }
0x51: {  	[sflag:s7] =	ssyncset.done @!p0 $0x0  }
0x52: {  	[sflag:s7] =	ssyncadd.s32 @!p0 $0xFFFFD800;
	s7 =	simm.s32 @!p1 $0x100  }
0x53: {  	[spmem:s23] =	stream.linear.scatter @!p1 [tilespmem:s7], [sflag:$0x2], $0x2800, $0x38;
	[tilespmem:$0x18980] =	vst v63  }
0x54: {  	s7 =	simm.s32 @!p1 $0x2  }
0x55: {  	_ =	swait.ge @!p1 [sflag:s7], $0x2800  }
0x56: {  	[sflag:s7] =	ssyncset.done @!p1 $0x0  }
0x57: {  	[sflag:s7] =	ssyncadd.s32 @!p1 $0xFFFFD800  }
0x58: {  	s8 =	simm.s32 $0x0;
	s7 =	simm.s32 $0x0;
	[bflag:$0x0] =	sbarrier.arrive $0xFFFF  }
.LBB2_4:
0x59: {  	s9 =	sshll.u32 s8, $0x4  }
0x5a: {  	s9 =	sadd.s32 s25, s9  }
0x5b: {  	s10 =	sadd.s32 s14, s9  }
0x5c: {  	[tilespmem:s7], [sflag:$0x2] =	stream.linear.gather [hbm4b:s10+s7], $0x80, $0x38;
	[tilespmem:$0x18980] =	vst v63  }
0x5d: {  	_ =	swait.ge [sflag:s29], $0x80  }
0x5e: {  	[sflag:s29] =	ssyncset.done $0x0  }
0x5f: {  	s11 =	smul.u32 $0x50, s8;
	s9 =	sadd.s32 s15, s9;
	[sflag:s29] =	ssyncadd.s32 $0xFFFFFF80  }
0x60: {  	[tilespmem:s30], [sflag:$0x2] =	stream.linear.gather [hbm4b:s9+s7], $0x80, $0x38;
	[tilespmem:$0x18980] =	vst v63  }
0x61: {  	s11 =	sadd.s32 s24, s11;
	_ =	swait.ge [sflag:s29], $0x80  }
0x62: {  	s9 =	sshll.u32 s11, $0x4;
	[sflag:s29] =	ssyncset.done $0x0  }
0x63: {  	s9 =	sadd.s32 s5, s9;
	[sflag:s29] =	ssyncadd.s32 $0xFFFFFF80  }
0x64: {  	[tilespmem:s31], [sflag:$0x2] =	stream.linear.gather [hbm4b:s9+s7], $0x2800, $0x38;
	[tilespmem:$0x18980] =	vst v63  }
0x65: {  	_ =	swait.ge [sflag:s29], $0x2800  }
0x66: {  	[sflag:s29] =	ssyncset.done $0x0  }
0x67: {  	[sflag:s29] =	ssyncadd.s32 $0xFFFFD800  }
0x68: {  	[tilespmem:s28], [sflag:$0x1] =	stream.indirect.gather [hbm4b:s4+s0], $0x80, s7, s0, $0xb8;
	[tilespmem:$0x18980] =	vst v63  }
0x69: {  	_ =	swait.ge [sflag:s3], $0x2800  }
0x6a: {  	[sflag:s3] =	ssyncset.done $0x0  }
0x6b: {  	s9 =	simm.s32 $0x0;
	[sflag:s3] =	ssyncadd.s32 $0xFFFFD800  }
0x6c: {  	v7 =	vld [tilespmem:s9+$0x2900]  }
0x6d: {  	v12 =	vld [tilespmem:s9+$0x2910]  }
0x6e: {  	v6 =	vld [tilespmem:s9+$0x2920]  }
0x6f: {  	v5 =	vld [tilespmem:s9+$0x2930]  }
0x70: {  	v4 =	vld [tilespmem:s9+$0x2940]  }
0x71: {  	v3 =	vld [tilespmem:s9+$0x2950]  }
0x72: {  	v2 =	vld [tilespmem:s9+$0x2960]  }
0x73: {  	v1 =	vld [tilespmem:s9+$0x2970]  }
0x74: {  	v13 =	vld [tilespmem:s9+$0x100]  }
0x75: {  	v14 =	vld [tilespmem:s9+$0x110]  }
0x76: {  	v11 =	vld [tilespmem:s9+$0x120]  }
0x77: {  	v10 =	vld [tilespmem:s9+$0x130]  }
0x78: {  	v9 =	vld [tilespmem:s9+$0x140]  }
0x79: {  	v8 =	vld [tilespmem:s9+$0x150];
	v13 =	vadd.f32 v7, v13  }
0x7a: {  	s10 =	simm.s32 $0x200;
	v12 =	vadd.f32 v12, v14;
	v7 =	vld [tilespmem:s9+$0x160]  }
.LBB2_5:
0x7b: {  	s11 =	sshra.s32 s10, $0x2;
	p3 =	sne.s32 s10, $0x9E00;
	v13 =	vmax.f32 v13, $0.0e+00;
	v6 =	vadd.f32 v6, v11;
	v11 =	vld [tilespmem:s9+$0x170]  }
0x7c: {  	v14 =	vld [tilespmem:s11+$0x2900];
	[tilespmem:s9+$0x100] =	vst v13;
	v12 =	vmax.f32 v12, $0.0e+00;
	v5 =	vadd.f32 v5, v10  }
0x7d: {  	v15 =	vld [tilespmem:s11+$0x2910];
	[tilespmem:s9+$0x110] =	vst v12;
	v10 =	vmax.f32 v6, $0.0e+00;
	v4 =	vadd.f32 v4, v9  }
0x7e: {  	v6 =	vld [tilespmem:s11+$0x2920];
	[tilespmem:s9+$0x120] =	vst v10;
	v9 =	vmax.f32 v5, $0.0e+00;
	v3 =	vadd.f32 v3, v8  }
0x7f: {  	v5 =	vld [tilespmem:s11+$0x2930];
	[tilespmem:s9+$0x130] =	vst v9;
	v8 =	vmax.f32 v4, $0.0e+00;
	v2 =	vadd.f32 v2, v7  }
0x80: {  	v4 =	vld [tilespmem:s11+$0x2940];
	[tilespmem:s9+$0x140] =	vst v8;
	v7 =	vmax.f32 v3, $0.0e+00;
	v1 =	vadd.f32 v1, v11  }
0x81: {  	v3 =	vld [tilespmem:s11+$0x2950];
	[tilespmem:s9+$0x150] =	vst v7;
	v7 =	vmax.f32 v2, $0.0e+00  }
0x82: {  	v2 =	vld [tilespmem:s11+$0x2960];
	[tilespmem:s9+$0x160] =	vst v7;
	v7 =	vmax.f32 v1, $0.0e+00  }
0x83: {  	v1 =	vld [tilespmem:s11+$0x2970];
	[tilespmem:s9+$0x170] =	vst v7;
	s9 =	smov.u32 s11  }
0x84: {  	v7 =	vld [tilespmem:s9+$0x100]  }
0x85: {  	v12 =	vld [tilespmem:s9+$0x110]  }
.Ltmp1:
0x86: {  	v11 =	vld [tilespmem:s9+$0x120];
	(pc) =	sbr.rel @p3 .LBB2_5-.Ltmp1, $4  }
0x87: {  	v10 =	vld [tilespmem:s9+$0x130]  }
0x88: {  	v9 =	vld [tilespmem:s9+$0x140]  }
0x89: {  	v13 =	vadd.f32 v14, v7;
	v8 =	vld [tilespmem:s9+$0x150]  }
0x8a: {  	s10 =	sadd.s32 $0x200, s10;
	v12 =	vadd.f32 v15, v12;
	v7 =	vld [tilespmem:s9+$0x160]  }
0x8b: {  	v13 =	vmax.f32 v13, $0.0e+00;
	v6 =	vadd.f32 v6, v11;
	v63 =	vld [tilespmem:s9+$0x170]  }
0x8c: {  	[tilespmem:s9+$0x100] =	vst v13;
	v12 =	vmax.f32 v12, $0.0e+00;
	v5 =	vadd.f32 v5, v10  }
0x8d: {  	[tilespmem:s9+$0x110] =	vst v12;
	v6 =	vmax.f32 v6, $0.0e+00;
	v4 =	vadd.f32 v4, v9  }
0x8e: {  	[tilespmem:s9+$0x120] =	vst v6;
	v5 =	vmax.f32 v5, $0.0e+00;
	v3 =	vadd.f32 v3, v8  }
0x8f: {  	[tilespmem:s9+$0x130] =	vst v5;
	v4 =	vmax.f32 v4, $0.0e+00;
	v2 =	vadd.f32 v2, v7  }
0x90: {  	[tilespmem:s9+$0x140] =	vst v4;
	v3 =	vmax.f32 v3, $0.0e+00;
	v1 =	vadd.f32 v1, v63  }
0x91: {  	s8 =	sadd.s32 $0x1, s8;
	[tilespmem:s9+$0x150] =	vst v3;
	v2 =	vmax.f32 v2, $0.0e+00  }
0x92: {  	p3 =	sne.s32 s8, $0x7D;
	[tilespmem:s9+$0x160] =	vst v2;
	v1 =	vmax.f32 v1, $0.0e+00  }
.Ltmp2:
0x93: {  	[tilespmem:s9+$0x170] =	vst v1;
	(pc) =	sbr.rel @p3 .LBB2_4-.Ltmp2, $4  }
0x94: {  	[spmem:s1] =	stream.indirect.scatter.add.f32 [tilespmem:s28], [sflag:$0x2], $0x80, s30, s0, $0xb8;
	[tilespmem:$0x18980] =	vst v63  }
0x95: {  	_ =	swait.ge [sflag:s29], $0x2800  }
0x96: {  	[sflag:s29] =	ssyncset.done $0x0  }
0x97: {  	[sflag:s29] =	ssyncadd.s32 $0xFFFFD800  }
0x98: {  	[bflag:$0x0] =	sbarrier.arrive $0xFFFF  }
0x99: {  	[tilespmem:s28], [sflag:$0x2] =	stream.linear.gather [spmem:s16], $0x2800, $0x38;
	[tilespmem:$0x18980] =	vst v63  }
0x9a: {  	_ =	swait.ge [sflag:s29], $0x2800  }
0x9b: {  	[sflag:s29] =	ssyncset.done $0x0  }
0x9c: {  	s7 =	rddreg [dreg:$0x3];
	[sflag:s29] =	ssyncadd.s32 $0xFFFFD800  }
0x9d: {  	[hbm4b:s7+s2] =	stream.linear.scatter [tilespmem:s28], [sflag:$0x2], $0x2800, $0x38;
	[tilespmem:$0x18980] =	vst v63  }
0x9e: {  	_ =	swait.ge [sflag:s29], $0x2800  }
0x9f: {  	[sflag:s29] =	ssyncset.done $0x0  }
0xa0: {  	[sflag:s29] =	ssyncadd.s32 $0xFFFFD800  }
0xa1: {  	[tilespmem:s28], [sflag:$0x2] =	stream.linear.gather [spmem:s17], $0x2800, $0x38;
	[tilespmem:$0x18980] =	vst v63  }
0xa2: {  	_ =	swait.ge [sflag:s29], $0x2800  }
0xa3: {  	[sflag:s29] =	ssyncset.done $0x0  }
0xa4: {  	s8 =	rddreg [dreg:$0x4];
	[sflag:s29] =	ssyncadd.s32 $0xFFFFD800  }
0xa5: {  	[hbm4b:s8+s2] =	stream.linear.scatter [tilespmem:s28], [sflag:$0x2], $0x2800, $0x38;
	[tilespmem:$0x18980] =	vst v63  }
0xa6: {  	_ =	swait.ge [sflag:s29], $0x2800  }
0xa7: {  	[sflag:s29] =	ssyncset.done $0x0  }
0xa8: {  	[sflag:s29] =	ssyncadd.s32 $0xFFFFD800  }
0xa9: {  	[tilespmem:s28], [sflag:$0x2] =	stream.linear.gather [spmem:s18], $0x2800, $0x38;
	[tilespmem:$0x18980] =	vst v63  }
0xaa: {  	_ =	swait.ge [sflag:s29], $0x2800  }
0xab: {  	[sflag:s29] =	ssyncset.done $0x0  }
0xac: {  	s9 =	rddreg [dreg:$0x5];
	[sflag:s29] =	ssyncadd.s32 $0xFFFFD800  }
0xad: {  	[hbm4b:s9+s2] =	stream.linear.scatter [tilespmem:s28], [sflag:$0x2], $0x2800, $0x38;
	[tilespmem:$0x18980] =	vst v63  }
0xae: {  	_ =	swait.ge [sflag:s29], $0x2800  }
0xaf: {  	[sflag:s29] =	ssyncset.done $0x0  }
0xb0: {  	[sflag:s29] =	ssyncadd.s32 $0xFFFFD800  }
0xb1: {  	[tilespmem:s28], [sflag:$0x2] =	stream.linear.gather [spmem:s19], $0x2800, $0x38;
	[tilespmem:$0x18980] =	vst v63  }
0xb2: {  	_ =	swait.ge [sflag:s29], $0x2800  }
0xb3: {  	[sflag:s29] =	ssyncset.done $0x0  }
0xb4: {  	s10 =	rddreg [dreg:$0x6];
	[sflag:s29] =	ssyncadd.s32 $0xFFFFD800  }
0xb5: {  	[hbm4b:s10+s2] =	stream.linear.scatter [tilespmem:s28], [sflag:$0x2], $0x2800, $0x38;
	[tilespmem:$0x18980] =	vst v63  }
0xb6: {  	_ =	swait.ge [sflag:s29], $0x2800  }
0xb7: {  	[sflag:s29] =	ssyncset.done $0x0  }
0xb8: {  	[sflag:s29] =	ssyncadd.s32 $0xFFFFD800  }
0xb9: {  	[tilespmem:s28], [sflag:$0x2] =	stream.linear.gather [spmem:s20], $0x2800, $0x38;
	[tilespmem:$0x18980] =	vst v63  }
0xba: {  	_ =	swait.ge [sflag:s29], $0x2800  }
0xbb: {  	[sflag:s29] =	ssyncset.done $0x0  }
0xbc: {  	s11 =	rddreg [dreg:$0x7];
	[sflag:s29] =	ssyncadd.s32 $0xFFFFD800  }
0xbd: {  	[hbm4b:s11+s2] =	stream.linear.scatter [tilespmem:s28], [sflag:$0x2], $0x2800, $0x38;
	[tilespmem:$0x18980] =	vst v63  }
0xbe: {  	_ =	swait.ge [sflag:s29], $0x2800  }
0xbf: {  	[sflag:s29] =	ssyncset.done $0x0  }
0xc0: {  	s7 =	simm.s32 @!p2 $0x100;
	s8 =	simm.s32 @!p2 $0x2;
	[sflag:s29] =	ssyncadd.s32 $0xFFFFD800  }
0xc1: {  	[tilespmem:s7], [sflag:$0x2] =	stream.linear.gather @!p2 [spmem:s21], $0x2800, $0x38;
	[tilespmem:$0x18980] =	vst v63  }
0xc2: {  	_ =	swait.ge @!p2 [sflag:s8], $0x2800  }
0xc3: {  	[sflag:s8] =	ssyncset.done @!p2 $0x0  }
0xc4: {  	s9 =	simm.s32 @!p2 $0x0;
	s10 =	rddreg [dreg:$0x8];
	[sflag:s8] =	ssyncadd.s32 @!p2 $0xFFFFD800  }
0xc5: {  	[hbm4b:s10+s9] =	stream.linear.scatter @!p2 [tilespmem:s7], [sflag:$0x2], $0x2800, $0x38;
	[tilespmem:$0x18980] =	vst v63  }
0xc6: {  	_ =	swait.ge @!p2 [sflag:s8], $0x2800  }
0xc7: {  	[sflag:s8] =	ssyncset.done @!p2 $0x0  }
0xc8: {  	s7 =	simm.s32 @!p0 $0x100;
	[sflag:s8] =	ssyncadd.s32 @!p2 $0xFFFFD800;
	s8 =	simm.s32 @!p0 $0x2  }
0xc9: {  	[tilespmem:s7], [sflag:$0x2] =	stream.linear.gather @!p0 [spmem:s22], $0x2800, $0x38;
	[tilespmem:$0x18980] =	vst v63  }
0xca: {  	_ =	swait.ge @!p0 [sflag:s8], $0x2800  }
0xcb: {  	[sflag:s8] =	ssyncset.done @!p0 $0x0  }
0xcc: {  	s9 =	simm.s32 @!p0 $0x0;
	[sflag:s8] =	ssyncadd.s32 @!p0 $0xFFFFD800  }
0xcd: {  	[hbm4b:s12+s9] =	stream.linear.scatter @!p0 [tilespmem:s7], [sflag:$0x2], $0x2800, $0x38;
	[tilespmem:$0x18980] =	vst v63  }
0xce: {  	_ =	swait.ge @!p0 [sflag:s8], $0x2800  }
0xcf: {  	[sflag:s8] =	ssyncset.done @!p0 $0x0  }
0xd0: {  	s7 =	simm.s32 @!p1 $0x100;
	[sflag:s8] =	ssyncadd.s32 @!p0 $0xFFFFD800;
	s8 =	simm.s32 @!p1 $0x2  }
0xd1: {  	[tilespmem:s7], [sflag:$0x2] =	stream.linear.gather @!p1 [spmem:s23], $0x2800, $0x38;
	[tilespmem:$0x18980] =	vst v63  }
0xd2: {  	s6 =	sadd.s32 $0x1, s6;
	_ =	swait.ge @!p1 [sflag:s8], $0x2800  }
0xd3: {  	p3 =	sne.s32 s6, s26;
	[sflag:s8] =	ssyncset.done @!p1 $0x0  }
.Ltmp3:
0xd4: {  	s9 =	simm.s32 @!p1 $0x0;
	[sflag:s8] =	ssyncadd.s32 @!p1 $0xFFFFD800;
	(pc) =	sbr.rel @p3 .LBB2_1-.Ltmp3, $4  }
0xd5: {  	[hbm4b:s13+s9] =	stream.linear.scatter @!p1 [tilespmem:s7], [sflag:$0x2], $0x2800, $0x38;
	[tilespmem:$0x18980] =	vst v63  }
0xd6: {  	_ =	swait.ge @!p1 [sflag:s8], $0x2800  }
0xd7: {  	[sflag:s8] =	ssyncset.done @!p1 $0x0  }
0xd8: {  	[sflag:s8] =	ssyncadd.s32 @!p1 $0xFFFFD800  }
0xd9: {  	_ =	sfence.sel $0x180000  }
0xda: {  	[bflag:$0x0] =	sbarrier.arrive $0xFFFF  }
0xdb: {  	_ =	strace $0x90000047  }
0xdc: {  	s0 =	stileid.u32;
	[bflag:$0x2] =	sbarrier.arrive $0xFFFF  }
0xdd: {  	p0 =	sne.s32 s0, $0x0;
	s0 =	rddreg [dreg:$0x2]  }
0xde: {  	s0 =	sadd.s32 @!p0 $0x100000, s0  }
0xdf: {  	[sflag:s0] =	ssyncadd.tile.s32 @!p0 $0x1;
	_ =	shalt  }
.Lfunc_end2:
_tile_overlayer_lowered:
.L_overlay_start_2:
0xe0: {  	(tag) =	ssettag $0x2  }
0xe1: {  	s0 =	rddreg [dreg:$0x0];
	s2 =	stileid.u32  }
0xe2: {  	s1 =	rddreg [dreg:$0x1];
	p0 =	sne.s32 s2, $0x0  }
0xe3: {  	s3 =	rddreg [dreg:$0x2];
	[bflag:$0x3] =	sbarrier.arrive $0xFFFF;
	s2 =	simm.s32 @!p0 $0x1C02  }
0xe4: {  	[timem:s3], [sflag:s2] =	dma.local @!p0 [hbm:s0], s1  }
0xe5: {  	s0 =	simm.s32 @!p0 $0x2  }
0xe6: {  	_ =	swait.ge @!p0 [sflag:s0], s1  }
0xe7: {  	s1 =	ssub.s32 @!p0 $0x0, s1;
	[sflag:s0] =	ssyncset.done @!p0 $0x0  }
0xe8: {  	[sflag:s0] =	ssyncadd.s32 @!p0 s1  }
0xe9: {  	[bflag:$0x3] =	sbarrier.arrive $0xFFFF  }
0xea: {  	_ =	shalt  }

</sc_bundles>
